<compile_context>
chip_gen: v7x
topology: tpu7x:2x2x1
jax: 0.10.2.dev20260603
libtpu: 0.0.44.dev20260713+nightly
codegen_flags: <defaults>
</compile_context>

<pallas_src>
import functools
import numpy as np
import jax
import jax.numpy as jnp
from jax import lax
from jax.experimental import pallas as pl

C = 96
PS = 16
K = 12
NC = 8
NI = 3
P = 576
PROW = 24
HBLK = PS * 384

_HI = jax.lax.Precision.HIGHEST


def _lrelu(x):
    return jnp.where(x > 0, x, 0.2 * x)


def _erf(z):
    s = jnp.sign(z)
    a = jnp.abs(z)
    t = 1.0 / (1.0 + 0.3275911 * a)
    poly = t * (0.254829592 + t * (-0.284496736 + t * (1.421413741
               + t * (-1.453152027 + t * 1.061405429))))
    return s * (1.0 - poly * jnp.exp(-a * a))


def _gelu(x):
    return 0.5 * x * (1.0 + _erf(x * 0.7071067811865476))


def _ln_rows(x, w, b):
    mu = jnp.mean(x, axis=-1, keepdims=True)
    var = jnp.mean((x - mu) ** 2, axis=-1, keepdims=True)
    return (x - mu) / jnp.sqrt(var + 1e-5) * w + b


def _dot_t(x, w, prec=None):
    return lax.dot_general(x, w, (((1,), (1,)), ((), ())),
                           precision=prec, preferred_element_type=jnp.float32)


def _dot(x, w, prec=None):
    return lax.dot_general(x, w, (((1,), (0,)), ((), ())),
                           precision=prec, preferred_element_type=jnp.float32)


def _pool_body(fa_ref, out_ref):
    x = fa_ref[0]
    r = lax.broadcasted_iota(jnp.int32, (PROW, HBLK), 0)
    c = lax.broadcasted_iota(jnp.int32, (PROW, HBLK), 1)
    q = jnp.where((c % 384) // PS == r, 1.0 / (PS * PS), 0.0)
    out_ref[0, 0] = _dot_t(q, x, _HI)


def _graph_body(nodes_ref, we1_ref, be1_ref, we2_ref, be2_ref, lng_w_ref,
                lng_b_ref, wpx_ref, bpx_ref, wnp_ref, bnp_ref, lam_ref,
                lna_w_ref, lna_b_ref, wpr_ref, bpr_ref, wrf_ref, brf_ref,
                wfc_ref, bfc_ref, g_ref):
    x = nodes_ref[0]
    we1 = we1_ref[...]
    wc = we1[:, :C]
    wn = we1[:, C:]

    nrm = jnp.sqrt(jnp.sum(x * x, axis=1, keepdims=True))
    nn = x / jnp.maximum(nrm, 1e-12)
    sim = _dot_t(nn, nn, _HI)
    rr = lax.broadcasted_iota(jnp.int32, (P, P), 0)
    cc = lax.broadcasted_iota(jnp.int32, (P, P), 1)
    neg = jnp.float32(-jnp.inf)
    sim = jnp.where(rr == cc, neg, sim)

    a_proj = _dot_t(x, wc - wn) + be1_ref[...]
    b_proj = _dot_t(x, wn)
    we2 = we2_ref[...]
    be2 = be2_ref[...]

    acc = jnp.zeros((P, C), jnp.float32)
    for _ in range(K):
        m = jnp.max(sim, axis=1, keepdims=True)
        colid = jnp.where(sim == m, cc, P)
        amin = jnp.min(colid, axis=1, keepdims=True)
        sel = cc == amin
        sim = jnp.where(sel, neg, sim)
        oh = sel.astype(jnp.float32)
        bq = _dot(oh, b_proj)
        h1 = _lrelu(a_proj + bq)
        acc = acc + _lrelu(_dot_t(h1, we2) + be2)

    fg = _ln_rows(acc * (1.0 / K), lng_w_ref[...], lng_b_ref[...])

    ones_row = jnp.ones((1, C), jnp.float32)
    wpx_outer = lax.dot_general(wpx_ref[...], ones_row,
                                (((0,), (0,)), ((), ())),
                                preferred_element_type=jnp.float32)
    sp = _gelu(_dot(fg, wpx_outer) + bpx_ref[...])
    sn = jnp.mean(fg, axis=0, keepdims=True)
    sn = _gelu(_dot_t(sn, wnp_ref[...]) + bnp_ref[...])
    fp = _ln_rows(lam_ref[...] * (sp + sn), lna_w_ref[...], lna_b_ref[...])

    n2 = _dot_t(fp, wpr_ref[...]) + bpr_ref[...]
    n2n = jnp.sqrt(jnp.sum(n2 * n2, axis=1, keepdims=True))
    nn2 = n2 / jnp.maximum(n2n, 1e-12)
    cidx = [0, 82, 164, 246, 328, 410, 492, 575]
    centers = jnp.concatenate([n2[i:i + 1] for i in cidx], axis=0)
    c8 = lax.broadcasted_iota(jnp.int32, (P, NC), 1)
    ones_p = jnp.ones((P, 1), jnp.float32)
    for _ in range(NI):
        cn = jnp.sqrt(jnp.sum(centers * centers, axis=1, keepdims=True))
        cnn = centers / jnp.maximum(cn, 1e-12)
        s2 = _dot_t(nn2, cnn, _HI)
        m = jnp.max(s2, axis=1, keepdims=True)
        amin = jnp.min(jnp.where(s2 == m, c8, NC), axis=1, keepdims=True)
        oh = (c8 == amin).astype(jnp.float32)
        cnt = lax.dot_general(oh, ones_p, (((0,), (0,)), ((), ())),
                              preferred_element_type=jnp.float32)
        csum = lax.dot_general(oh, n2, (((0,), (0,)), ((), ())),
                               preferred_element_type=jnp.float32)
        centers = csum / jnp.maximum(cnt, 1.0)
    cn = jnp.sqrt(jnp.sum(centers * centers, axis=1, keepdims=True))
    cnn = centers / jnp.maximum(cn, 1e-12)
    s2 = _dot_t(nn2, cnn, _HI) * 10.0
    s2 = s2 - jnp.max(s2, axis=1, keepdims=True)
    e = jnp.exp(s2)
    wts = e / jnp.sum(e, axis=1, keepdims=True)
    cl = _dot(wts, centers)

    fo = _dot_t(cl + fp, wrf_ref[...]) + brf_ref[...]
    wfc = wfc_ref[...]
    bfc_col = bfc_ref[...]
    for i in range(P // PROW):
        blk = lax.dot_general(wfc, fo[i * PROW:(i + 1) * PROW, :],
                              (((1,), (1,)), ((), ())),
                              preferred_element_type=jnp.float32)
        g_ref[0, i] = blk + bfc_col


def _conv_body(fa_ref, gt_ref, wfc_ref, out_ref):
    x = fa_ref[0]
    gt = gt_ref[0, 0]
    w = wfc_ref[...]
    c = lax.broadcasted_iota(jnp.int32, (PROW, HBLK), 1)
    r = lax.broadcasted_iota(jnp.int32, (PROW, HBLK), 0)
    rep = jnp.where((c % 384) // PS == r, 1.0, 0.0)
    out_ref[0] = _dot(w, x) + _dot(gt, rep)


def kernel(F_a, W_e1, b_e1, W_e2, b_e2, ln_g_w, ln_g_b, W_px, b_px, W_np,
           b_np, lambda_n, ln_a_w, ln_a_b, W_pr, b_pr, W_rf, b_rf, W_fc,
           b_fc):
    B, Cc, H, W = F_a.shape
    fa2 = F_a.reshape(B, Cc, H * W)
    nblk = H // PS

    nodes4 = pl.pallas_call(
        _pool_body,
        grid=(B, nblk),
        in_specs=[pl.BlockSpec((1, Cc, HBLK), lambda b, i: (b, 0, i))],
        out_specs=pl.BlockSpec((1, 1, PROW, Cc), lambda b, i: (b, i, 0, 0)),
        out_shape=jax.ShapeDtypeStruct((B, nblk, PROW, Cc), jnp.float32),
    )(fa2)

    nodes = nodes4.reshape(B, P, Cc)

    wfull = lambda s: pl.BlockSpec(s, lambda *_: tuple(0 for _ in s))
    row = lambda v: v.reshape(1, -1)

    g = pl.pallas_call(
        _graph_body,
        grid=(B,),
        in_specs=[pl.BlockSpec((1, P, Cc), lambda b: (b, 0, 0))]
        + [wfull(s) for s in [(Cc, 2 * Cc), (1, Cc), (Cc, Cc), (1, Cc),
                              (1, Cc), (1, Cc), (1, Cc), (1, Cc), (Cc, Cc),
                              (1, Cc), (1, Cc), (1, Cc), (1, Cc), (Cc, Cc),
                              (1, Cc), (Cc, Cc), (1, Cc), (Cc, Cc),
                              (Cc, 1)]],
        out_specs=pl.BlockSpec((1, nblk, Cc, PROW), lambda b: (b, 0, 0, 0)),
        out_shape=jax.ShapeDtypeStruct((B, nblk, Cc, PROW), jnp.float32),
    )(nodes, W_e1, row(b_e1), W_e2, row(b_e2), row(ln_g_w), row(ln_g_b),
      W_px, jnp.broadcast_to(b_px.reshape(1, 1), (1, Cc)), W_np, row(b_np),
      lambda_n.reshape(1, Cc),
      row(ln_a_w), row(ln_a_b), W_pr, row(b_pr), W_rf, row(b_rf),
      W_fc.reshape(Cc, Cc), b_fc.reshape(Cc, 1))

    gt = g

    out2 = pl.pallas_call(
        _conv_body,
        grid=(B, nblk),
        in_specs=[
            pl.BlockSpec((1, Cc, HBLK), lambda b, i: (b, 0, i)),
            pl.BlockSpec((1, 1, Cc, PROW), lambda b, i: (b, i, 0, 0)),
            wfull((Cc, Cc)),
        ],
        out_specs=pl.BlockSpec((1, Cc, HBLK), lambda b, i: (b, 0, i)),
        out_shape=jax.ShapeDtypeStruct((B, Cc, H * W), jnp.float32),
    )(fa2, gt, W_fc.reshape(Cc, Cc))

    return out2.reshape(B, Cc, H, W)

# --- scband reference (transcript-rebuilt; emitter-appended) ---
"""Pipeline reference for scband-cagpblock-40948218200139 (READ-ONLY COPY).

The authoritative reference and input builder live on the scoring server;
editing this copy changes nothing except your own understanding.
"""

import jax, jax.numpy as jnp
import numpy as np

C = 96
PS = 16
K = 12
NC = 8
NI = 3


def _ln(x, w, b):
    mu = x.mean(-1, keepdims=True)
    var = ((x - mu) ** 2).mean(-1, keepdims=True)
    return (x - mu) / jnp.sqrt(var + 1e-5) * w + b


def _l2(v):
    return v / jnp.maximum(jnp.linalg.norm(v, axis=-1, keepdims=True), 1e-12)


def _lrelu(x):
    return jnp.where(x > 0, x, 0.2 * x)


def setup_inputs(seed: int = 0) -> dict:
    key = jax.random.key(seed)
    ks = jax.random.split(key, 12)
    def w(k, shape):
        return jax.random.normal(k, shape, dtype=jnp.float32) * 0.05
    d = {}
    d['F_a'] = jax.random.normal(ks[0], (2, C, 384, 384), dtype=jnp.float32)
    d['W_e1'] = w(ks[1], (C, 2 * C)); d['b_e1'] = jnp.zeros((C,), jnp.float32)
    d['W_e2'] = w(ks[2], (C, C)); d['b_e2'] = jnp.zeros((C,), jnp.float32)
    d['ln_g_w'] = jnp.ones((C,), jnp.float32); d['ln_g_b'] = jnp.zeros((C,), jnp.float32)
    d['W_px'] = w(ks[3], (1, C)); d['b_px'] = jnp.zeros((1,), jnp.float32)
    d['W_np'] = w(ks[4], (C, C)); d['b_np'] = jnp.zeros((C,), jnp.float32)
    d['lambda_n'] = jnp.ones((1, 1, C), jnp.float32)
    d['ln_a_w'] = jnp.ones((C,), jnp.float32); d['ln_a_b'] = jnp.zeros((C,), jnp.float32)
    d['W_pr'] = w(ks[5], (C, C)); d['b_pr'] = jnp.zeros((C,), jnp.float32)
    d['W_rf'] = w(ks[6], (C, C)); d['b_rf'] = jnp.zeros((C,), jnp.float32)
    d['W_fc'] = w(ks[7], (C, C, 1, 1)); d['b_fc'] = jnp.zeros((C,), jnp.float32)
    return d


def reference(F_a, W_e1, b_e1, W_e2, b_e2, ln_g_w, ln_g_b, W_px, b_px, W_np, b_np,
              lambda_n, ln_a_w, ln_a_b, W_pr, b_pr, W_rf, b_rf, W_fc, b_fc):
    B, Cc, H, W = F_a.shape
    pH, pW = H // PS, W // PS
    x = F_a[:, :, :pH * PS, :pW * PS].reshape(B, Cc, pH, PS, pW, PS)
    nodes = x.mean(axis=(3, 5)).reshape(B, Cc, -1).transpose(0, 2, 1)  # (B,P,C)
    P = nodes.shape[1]
    # GraphConstruction: knn graph + edge MLP
    nn_ = _l2(nodes)
    sim = jnp.einsum('bpc,bqc->bpq', nn_, nn_)
    sim = jnp.where(jnp.eye(P, dtype=bool)[None], -jnp.inf, sim)
    kk = min(K, P - 1)
    _, knn = jax.lax.top_k(sim, kk)  # (B,P,k)
    bidx = jnp.arange(B)[:, None, None]
    neigh = nodes[bidx, knn]  # gather (B,P,k,C)
    center = jnp.broadcast_to(nodes[:, :, None, :], neigh.shape)
    ei = jnp.concatenate([center, neigh - center], axis=-1)
    h = _lrelu(ei @ W_e1.T + b_e1)
    h = _lrelu(h @ W_e2.T + b_e2)
    Fg = _ln(h.mean(axis=2), ln_g_w, ln_g_b)
    # AdaptiveGraphPriors
    Sp = jax.nn.gelu(Fg @ W_px.T + b_px, approximate=False)  # (B,P,1)
    Sn = Fg.mean(axis=1, keepdims=True)  # AdaptiveAvgPool1d(1) over P
    Sn = jax.nn.gelu(Sn @ W_np.T + b_np, approximate=False)  # (B,1,C)
    Fp = _ln(lambda_n * (Sp + Sn), ln_a_w, ln_a_b)
    # NodeClustering
    c = min(NC, P)
    n2 = Fp @ W_pr.T + b_pr
    idx = jnp.linspace(0, P - 1, c).astype(jnp.int32)
    centers = n2[:, idx, :]
    for _ in range(NI):
        s2 = jnp.einsum('bpc,bjc->bpj', _l2(n2), _l2(centers))
        a = jnp.argmax(s2, axis=-1)
        oh = jax.nn.one_hot(a, c, dtype=n2.dtype)
        cnt = jnp.maximum(oh.sum(axis=1), 1.0)
        centers = jnp.einsum('bpj,bpc->bjc', oh, n2) / cnt[:, :, None]
    s2 = jnp.einsum('bpc,bjc->bpj', _l2(n2), _l2(centers))
    wts = jax.nn.softmax(s2 * 10.0, axis=-1)
    cl = jnp.einsum('bpj,bjc->bpc', wts, centers)
    Fo = (cl + Fp) @ W_rf.T + b_rf
    Fo = Fo.transpose(0, 2, 1).reshape(B, Cc, pH, pW)
    # nearest-neighbor upsample by exact factor PS
    Fo = jnp.repeat(jnp.repeat(Fo, PS, axis=2), PS, axis=3)
    y = Fo + F_a
    out = jnp.einsum('oc,bchw->bohw', W_fc.reshape(Cc, Cc), y) + b_fc[None, :, None, None]
    return out

if __name__ == "__main__":
    import jax
    _d = setup_inputs()
    print(jax.jit(kernel)(*tuple(_d.values())))

</pallas_src>

<mosaic_0001>
module attributes {stable_mosaic.version = 14 : i64} {
  func.func @_pool_body(%arg0: i32, %arg1: i32, %arg2: memref<1x96x6144xf32, #tpu.memory_space<vmem>>, %arg3: memref<1x1x24x96xf32, #tpu.memory_space<vmem>>) attributes {dimension_semantics = [#tpu.dimension_semantics<arbitrary>, #tpu.dimension_semantics<arbitrary>], iteration_bounds = array<i64: 2, 24>, scalar_prefetch = 0 : i64, scratch_operands = 0 : i64, tpu.core_type = #tpu.core_type<tc>, window_params = [{transform_indices = @transform_0, window_bounds = array<i64: 1, 96, 6144>}, {transform_indices = @transform_1, window_bounds = array<i64: 1, 1, 24, 96>}]} {
    %get3A = arith.constant 0 : index
    %get3A_0 = arith.constant 0 : index
    %get3A_1 = arith.constant 0 : index
    %get3A_2 = vector.load %arg2[%get3A, %get3A_0, %get3A_1] : memref<1x96x6144xf32, #tpu.memory_space<vmem>>, vector<1x96x6144xf32>
    %get3A_3 = vector.shape_cast %get3A_2 : vector<1x96x6144xf32> to vector<96x6144xf32>
    %iota3A = tpu.iota {dimensions = array<i32: 0>} : vector<24x6144xi32>
    %iota3A_4 = tpu.iota {dimensions = array<i32: 1>} : vector<24x6144xi32>
    %jit3A = arith.constant 384 : i32
    %eq3A = arith.constant 0 : i32
    %eq3A_5 = arith.cmpi eq, %jit3A, %eq3A : i32
    %jit3A_6 = arith.constant 1 : i32
    %select_n3A = arith.select %eq3A_5, %jit3A_6, %jit3A : i32
    %rem3A = vector.broadcast %select_n3A : i32 to vector<24x6144xi32>
    %rem3A_7 = arith.remsi %iota3A_4, %rem3A : vector<24x6144xi32>
    %ne3A = arith.constant 0 : i32
    %ne3A_8 = vector.broadcast %ne3A : i32 to vector<24x6144xi32>
    %ne3A_9 = arith.cmpi ne, %rem3A_7, %ne3A_8 : vector<24x6144xi32>
    %lt3A = arith.constant 0 : i32
    %lt3A_10 = vector.broadcast %lt3A : i32 to vector<24x6144xi32>
    %lt3A_11 = arith.cmpi slt, %rem3A_7, %lt3A_10 : vector<24x6144xi32>
    %lt3A_12 = arith.constant 0 : i32
    %lt3A_13 = arith.cmpi slt, %select_n3A, %lt3A_12 : i32
    %ne3A_14 = vector.broadcast %lt3A_13 : i1 to vector<24x6144xi1>
    %ne3A_15 = vector.broadcast %ne3A_14 : vector<24x6144xi1> to vector<24x6144xi1>
    %ne3A_16 = arith.xori %lt3A_11, %ne3A_15 : vector<24x6144xi1>
    %and3A = arith.andi %ne3A_16, %ne3A_9 : vector<24x6144xi1>
    %add3A = vector.broadcast %select_n3A : i32 to vector<24x6144xi32>
    %add3A_17 = arith.addi %rem3A_7, %add3A : vector<24x6144xi32>
    %select_n3A_18 = arith.select %and3A, %add3A_17, %rem3A_7 : vector<24x6144xi1>, vector<24x6144xi32>
    %jit3A_19 = arith.constant 16 : i32
    %div3A = vector.broadcast %jit3A_19 : i32 to vector<24x6144xi32>
    %div3A_20 = arith.divsi %select_n3A_18, %div3A : vector<24x6144xi32>
    %sign3A = arith.constant 0 : i32
    %sign3A_21 = vector.broadcast %sign3A : i32 to vector<24x6144xi32>
    %sign3A_22 = arith.cmpi sgt, %select_n3A_18, %sign3A_21 : vector<24x6144xi32>
    %sign3A_23 = arith.extui %sign3A_22 : vector<24x6144xi1> to vector<24x6144xi32>
    %sign3A_24 = arith.constant 0 : i32
    %sign3A_25 = vector.broadcast %sign3A_24 : i32 to vector<24x6144xi32>
    %sign3A_26 = arith.cmpi slt, %select_n3A_18, %sign3A_25 : vector<24x6144xi32>
    %sign3A_27 = arith.extui %sign3A_26 : vector<24x6144xi1> to vector<24x6144xi32>
    %sign3A_28 = arith.subi %sign3A_23, %sign3A_27 : vector<24x6144xi32>
    %sign3A_29 = arith.constant 0 : i32
    %sign3A_30 = arith.cmpi sgt, %jit3A_19, %sign3A_29 : i32
    %sign3A_31 = arith.extui %sign3A_30 : i1 to i32
    %sign3A_32 = arith.constant 0 : i32
    %sign3A_33 = arith.cmpi slt, %jit3A_19, %sign3A_32 : i32
    %sign3A_34 = arith.extui %sign3A_33 : i1 to i32
    %sign3A_35 = arith.subi %sign3A_31, %sign3A_34 : i32
    %ne3A_36 = vector.broadcast %sign3A_35 : i32 to vector<24x6144xi32>
    %ne3A_37 = arith.cmpi ne, %sign3A_28, %ne3A_36 : vector<24x6144xi32>
    %rem3A_38 = vector.broadcast %jit3A_19 : i32 to vector<24x6144xi32>
    %rem3A_39 = arith.remsi %select_n3A_18, %rem3A_38 : vector<24x6144xi32>
    %ne3A_40 = arith.constant 0 : i32
    %ne3A_41 = vector.broadcast %ne3A_40 : i32 to vector<24x6144xi32>
    %ne3A_42 = arith.cmpi ne, %rem3A_39, %ne3A_41 : vector<24x6144xi32>
    %and3A_43 = arith.andi %ne3A_37, %ne3A_42 : vector<24x6144xi1>
    %sub3A = arith.constant 1 : i32
    %sub3A_44 = vector.broadcast %sub3A : i32 to vector<24x6144xi32>
    %sub3A_45 = arith.subi %div3A_20, %sub3A_44 : vector<24x6144xi32>
    %select_n3A_46 = arith.select %and3A_43, %sub3A_45, %div3A_20 : vector<24x6144xi1>, vector<24x6144xi32>
    %eq3A_47 = arith.cmpi eq, %select_n3A_46, %iota3A : vector<24x6144xi32>
    %jit3A_48 = arith.constant 3.906250e-03 : f32
    %jit3A_49 = arith.constant 0.000000e+00 : f32
    %broadcast_in_dim3A = vector.broadcast %jit3A_48 : f32 to vector<24x6144xf32>
    %broadcast_in_dim3A_50 = vector.broadcast %jit3A_49 : f32 to vector<24x6144xf32>
    %select_n3A_51 = arith.select %eq3A_47, %broadcast_in_dim3A, %broadcast_in_dim3A_50 : vector<24x6144xi1>, vector<24x6144xf32>
    %dot_general3A = arith.constant dense<0.000000e+00> : vector<24x96xf32>
    %dot_general3A_52 = tpu.matmul %select_n3A_51, %get3A_3, %dot_general3A {dimension_numbers = #tpu.dot_dimension_numbers<[1], [1], [0], [0], [0, 0, 1, 0], [], []>, precision = #tpu.contract_precision<fp32>, transpose_lhs_hint = false} : vector<24x6144xf32>, vector<96x6144xf32>, vector<24x96xf32> -> vector<24x96xf32>
    %swap3A = arith.constant 0 : index
    %swap3A_53 = arith.constant 0 : index
    %swap3A_54 = arith.constant 0 : index
    %swap3A_55 = arith.constant 0 : index
    %swap3A_56 = vector.load %arg3[%swap3A, %swap3A_53, %swap3A_54, %swap3A_55] : memref<1x1x24x96xf32, #tpu.memory_space<vmem>>, vector<1x1x24x96xf32>
    %swap3A_57 = vector.shape_cast %swap3A_56 : vector<1x1x24x96xf32> to vector<24x96xf32>
    %swap3A_58 = vector.shape_cast %dot_general3A_52 : vector<24x96xf32> to vector<1x1x24x96xf32>
    tpu.vector_store %arg3[%swap3A, %swap3A_53, %swap3A_54, %swap3A_55], %swap3A_58 {strides = array<i32>} : memref<1x1x24x96xf32, #tpu.memory_space<vmem>>, vector<1x1x24x96xf32>,
    return
  }
  func.func @transform_0(%arg0: i32, %arg1: i32) -> (i32, i32, i32) {
    %c0_i32 = arith.constant 0 : i32
    %c0_i32_0 = arith.constant 0 : i32
    return %arg0, %c0_i32, %arg1 : i32, i32, i32
  }
  func.func @transform_1(%arg0: i32, %arg1: i32) -> (i32, i32, i32, i32) {
    %c0_i32 = arith.constant 0 : i32
    %c0_i32_0 = arith.constant 0 : i32
    %c0_i32_1 = arith.constant 0 : i32
    return %arg0, %arg1, %c0_i32, %c0_i32_0 : i32, i32, i32, i32
  }
}

module attributes {stable_mosaic.version = 14 : i64} {
  func.func @_conv_body(%arg0: i32, %arg1: i32, %arg2: memref<1x96x6144xf32, #tpu.memory_space<vmem>>, %arg3: memref<1x1x96x24xf32, #tpu.memory_space<vmem>>, %arg4: memref<96x96xf32, #tpu.memory_space<vmem>>, %arg5: memref<1x96x6144xf32, #tpu.memory_space<vmem>>) attributes {dimension_semantics = [#tpu.dimension_semantics<arbitrary>, #tpu.dimension_semantics<arbitrary>], iteration_bounds = array<i64: 2, 24>, scalar_prefetch = 0 : i64, scratch_operands = 0 : i64, tpu.core_type = #tpu.core_type<tc>, window_params = [{transform_indices = @transform_0, window_bounds = array<i64: 1, 96, 6144>}, {transform_indices = @transform_1, window_bounds = array<i64: 1, 1, 96, 24>}, {pipeline_mode = #tpu.pipeline_mode<synchronous>, transform_indices = @transform_2, window_bounds = array<i64: 96, 96>}, {transform_indices = @transform_3, window_bounds = array<i64: 1, 96, 6144>}]} {
    %get3A = arith.constant 0 : index
    %get3A_0 = arith.constant 0 : index
    %get3A_1 = arith.constant 0 : index
    %get3A_2 = vector.load %arg2[%get3A, %get3A_0, %get3A_1] : memref<1x96x6144xf32, #tpu.memory_space<vmem>>, vector<1x96x6144xf32>
    %get3A_3 = vector.shape_cast %get3A_2 : vector<1x96x6144xf32> to vector<96x6144xf32>
    %get3A_4 = arith.constant 0 : index
    %get3A_5 = arith.constant 0 : index
    %get3A_6 = arith.constant 0 : index
    %get3A_7 = arith.constant 0 : index
    %get3A_8 = vector.load %arg3[%get3A_4, %get3A_5, %get3A_6, %get3A_7] : memref<1x1x96x24xf32, #tpu.memory_space<vmem>>, vector<1x1x96x24xf32>
    %get3A_9 = vector.shape_cast %get3A_8 : vector<1x1x96x24xf32> to vector<96x24xf32>
    %get3A_10 = arith.constant 0 : index
    %get3A_11 = arith.constant 0 : index
    %get3A_12 = vector.load %arg4[%get3A_10, %get3A_11] : memref<96x96xf32, #tpu.memory_space<vmem>>, vector<96x96xf32>
    %iota3A = tpu.iota {dimensions = array<i32: 1>} : vector<24x6144xi32>
    %iota3A_13 = tpu.iota {dimensions = array<i32: 0>} : vector<24x6144xi32>
    %jit3A = arith.constant 384 : i32
    %eq3A = arith.constant 0 : i32
    %eq3A_14 = arith.cmpi eq, %jit3A, %eq3A : i32
    %jit3A_15 = arith.constant 1 : i32
    %select_n3A = arith.select %eq3A_14, %jit3A_15, %jit3A : i32
    %rem3A = vector.broadcast %select_n3A : i32 to vector<24x6144xi32>
    %rem3A_16 = arith.remsi %iota3A, %rem3A : vector<24x6144xi32>
    %ne3A = arith.constant 0 : i32
    %ne3A_17 = vector.broadcast %ne3A : i32 to vector<24x6144xi32>
    %ne3A_18 = arith.cmpi ne, %rem3A_16, %ne3A_17 : vector<24x6144xi32>
    %lt3A = arith.constant 0 : i32
    %lt3A_19 = vector.broadcast %lt3A : i32 to vector<24x6144xi32>
    %lt3A_20 = arith.cmpi slt, %rem3A_16, %lt3A_19 : vector<24x6144xi32>
    %lt3A_21 = arith.constant 0 : i32
    %lt3A_22 = arith.cmpi slt, %select_n3A, %lt3A_21 : i32
    %ne3A_23 = vector.broadcast %lt3A_22 : i1 to vector<24x6144xi1>
    %ne3A_24 = vector.broadcast %ne3A_23 : vector<24x6144xi1> to vector<24x6144xi1>
    %ne3A_25 = arith.xori %lt3A_20, %ne3A_24 : vector<24x6144xi1>
    %and3A = arith.andi %ne3A_25, %ne3A_18 : vector<24x6144xi1>
    %add3A = vector.broadcast %select_n3A : i32 to vector<24x6144xi32>
    %add3A_26 = arith.addi %rem3A_16, %add3A : vector<24x6144xi32>
    %select_n3A_27 = arith.select %and3A, %add3A_26, %rem3A_16 : vector<24x6144xi1>, vector<24x6144xi32>
    %jit3A_28 = arith.constant 16 : i32
    %div3A = vector.broadcast %jit3A_28 : i32 to vector<24x6144xi32>
    %div3A_29 = arith.divsi %select_n3A_27, %div3A : vector<24x6144xi32>
    %sign3A = arith.constant 0 : i32
    %sign3A_30 = vector.broadcast %sign3A : i32 to vector<24x6144xi32>
    %sign3A_31 = arith.cmpi sgt, %select_n3A_27, %sign3A_30 : vector<24x6144xi32>
    %sign3A_32 = arith.extui %sign3A_31 : vector<24x6144xi1> to vector<24x6144xi32>
    %sign3A_33 = arith.constant 0 : i32
    %sign3A_34 = vector.broadcast %sign3A_33 : i32 to vector<24x6144xi32>
    %sign3A_35 = arith.cmpi slt, %select_n3A_27, %sign3A_34 : vector<24x6144xi32>
    %sign3A_36 = arith.extui %sign3A_35 : vector<24x6144xi1> to vector<24x6144xi32>
    %sign3A_37 = arith.subi %sign3A_32, %sign3A_36 : vector<24x6144xi32>
    %sign3A_38 = arith.constant 0 : i32
    %sign3A_39 = arith.cmpi sgt, %jit3A_28, %sign3A_38 : i32
    %sign3A_40 = arith.extui %sign3A_39 : i1 to i32
    %sign3A_41 = arith.constant 0 : i32
    %sign3A_42 = arith.cmpi slt, %jit3A_28, %sign3A_41 : i32
    %sign3A_43 = arith.extui %sign3A_42 : i1 to i32
    %sign3A_44 = arith.subi %sign3A_40, %sign3A_43 : i32
    %ne3A_45 = vector.broadcast %sign3A_44 : i32 to vector<24x6144xi32>
    %ne3A_46 = arith.cmpi ne, %sign3A_37, %ne3A_45 : vector<24x6144xi32>
    %rem3A_47 = vector.broadcast %jit3A_28 : i32 to vector<24x6144xi32>
    %rem3A_48 = arith.remsi %select_n3A_27, %rem3A_47 : vector<24x6144xi32>
    %ne3A_49 = arith.constant 0 : i32
    %ne3A_50 = vector.broadcast %ne3A_49 : i32 to vector<24x6144xi32>
    %ne3A_51 = arith.cmpi ne, %rem3A_48, %ne3A_50 : vector<24x6144xi32>
    %and3A_52 = arith.andi %ne3A_46, %ne3A_51 : vector<24x6144xi1>
    %sub3A = arith.constant 1 : i32
    %sub3A_53 = vector.broadcast %sub3A : i32 to vector<24x6144xi32>
    %sub3A_54 = arith.subi %div3A_29, %sub3A_53 : vector<24x6144xi32>
    %select_n3A_55 = arith.select %and3A_52, %sub3A_54, %div3A_29 : vector<24x6144xi1>, vector<24x6144xi32>
    %eq3A_56 = arith.cmpi eq, %select_n3A_55, %iota3A_13 : vector<24x6144xi32>
    %jit3A_57 = arith.constant 1.000000e+00 : f32
    %jit3A_58 = arith.constant 0.000000e+00 : f32
    %broadcast_in_dim3A = vector.broadcast %jit3A_57 : f32 to vector<24x6144xf32>
    %broadcast_in_dim3A_59 = vector.broadcast %jit3A_58 : f32 to vector<24x6144xf32>
    %select_n3A_60 = arith.select %eq3A_56, %broadcast_in_dim3A, %broadcast_in_dim3A_59 : vector<24x6144xi1>, vector<24x6144xf32>
    %dot_general3A = arith.constant dense<0.000000e+00> : vector<96x6144xf32>
    %dot_general3A_61 = tpu.matmul %get3A_12, %get3A_3, %dot_general3A {dimension_numbers = #tpu.dot_dimension_numbers<[1], [0], [0], [1], [0, 0, 1, 1], [], []>, transpose_lhs_hint = false} : vector<96x96xf32>, vector<96x6144xf32>, vector<96x6144xf32> -> vector<96x6144xf32>
    %dot_general3A_62 = arith.constant dense<0.000000e+00> : vector<96x6144xf32>
    %dot_general3A_63 = tpu.matmul %get3A_9, %select_n3A_60, %dot_general3A_62 {dimension_numbers = #tpu.dot_dimension_numbers<[1], [0], [0], [1], [0, 0, 1, 1], [], []>, transpose_lhs_hint = false} : vector<96x24xf32>, vector<24x6144xf32>, vector<96x6144xf32> -> vector<96x6144xf32>
    %add3A_64 = arith.addf %dot_general3A_61, %dot_general3A_63 : vector<96x6144xf32>
    %swap3A = arith.constant 0 : index
    %swap3A_65 = arith.constant 0 : index
    %swap3A_66 = arith.constant 0 : index
    %swap3A_67 = vector.load %arg5[%swap3A, %swap3A_65, %swap3A_66] : memref<1x96x6144xf32, #tpu.memory_space<vmem>>, vector<1x96x6144xf32>
    %swap3A_68 = vector.shape_cast %swap3A_67 : vector<1x96x6144xf32> to vector<96x6144xf32>
    %swap3A_69 = vector.shape_cast %add3A_64 : vector<96x6144xf32> to vector<1x96x6144xf32>
    tpu.vector_store %arg5[%swap3A, %swap3A_65, %swap3A_66], %swap3A_69 {strides = array<i32>} : memref<1x96x6144xf32, #tpu.memory_space<vmem>>, vector<1x96x6144xf32>,
    return
  }
  func.func @transform_0(%arg0: i32, %arg1: i32) -> (i32, i32, i32) {
    %c0_i32 = arith.constant 0 : i32
    %c0_i32_0 = arith.constant 0 : i32
    return %arg0, %c0_i32, %arg1 : i32, i32, i32
  }
  func.func @transform_1(%arg0: i32, %arg1: i32) -> (i32, i32, i32, i32) {
    %c0_i32 = arith.constant 0 : i32
    %c0_i32_0 = arith.constant 0 : i32
    %c0_i32_1 = arith.constant 0 : i32
    return %arg0, %arg1, %c0_i32, %c0_i32_0 : i32, i32, i32, i32
  }
  func.func @transform_2(%arg0: i32, %arg1: i32) -> (i32, i32) {
    %c0_i32 = arith.constant 0 : i32
    %c0_i32_0 = arith.constant 0 : i32
    %c0_i32_1 = arith.constant 0 : i32
    return %c0_i32, %c0_i32_0 : i32, i32
  }
  func.func @transform_3(%arg0: i32, %arg1: i32) -> (i32, i32, i32) {
    %c0_i32 = arith.constant 0 : i32
    %c0_i32_0 = arith.constant 0 : i32
    return %arg0, %c0_i32, %arg1 : i32, i32, i32
  }
}

module attributes {stable_mosaic.version = 14 : i64} {
  func.func @_graph_body(%arg0: i32, %arg1: memref<1x576x96xf32, #tpu.memory_space<vmem>>, %arg2: memref<96x192xf32, #tpu.memory_space<vmem>>, %arg3: memref<1x96xf32, #tpu.memory_space<vmem>>, %arg4: memref<96x96xf32, #tpu.memory_space<vmem>>, %arg5: memref<1x96xf32, #tpu.memory_space<vmem>>, %arg6: memref<1x96xf32, #tpu.memory_space<vmem>>, %arg7: memref<1x96xf32, #tpu.memory_space<vmem>>, %arg8: memref<1x96xf32, #tpu.memory_space<vmem>>, %arg9: memref<1x96xf32, #tpu.memory_space<vmem>>, %arg10: memref<96x96xf32, #tpu.memory_space<vmem>>, %arg11: memref<1x96xf32, #tpu.memory_space<vmem>>, %arg12: memref<1x96xf32, #tpu.memory_space<vmem>>, %arg13: memref<1x96xf32, #tpu.memory_space<vmem>>, %arg14: memref<1x96xf32, #tpu.memory_space<vmem>>, %arg15: memref<96x96xf32, #tpu.memory_space<vmem>>, %arg16: memref<1x96xf32, #tpu.memory_space<vmem>>, %arg17: memref<96x96xf32, #tpu.memory_space<vmem>>, %arg18: memref<1x96xf32, #tpu.memory_space<vmem>>, %arg19: memref<96x96xf32, #tpu.memory_space<vmem>>, %arg20: memref<96x1xf32, #tpu.memory_space<vmem>>, %arg21: memref<1x24x96x24xf32, #tpu.memory_space<vmem>>) attributes {dimension_semantics = [#tpu.dimension_semantics<arbitrary>], iteration_bounds = array<i64: 2>, scalar_prefetch = 0 : i64, scratch_operands = 0 : i64, tpu.core_type = #tpu.core_type<tc>, window_params = [{transform_indices = @transform_0, window_bounds = array<i64: 1, 576, 96>}, {pipeline_mode = #tpu.pipeline_mode<synchronous>, transform_indices = @transform_1, window_bounds = array<i64: 96, 192>}, {pipeline_mode = #tpu.pipeline_mode<synchronous>, transform_indices = @transform_2, window_bounds = array<i64: 1, 96>}, {pipeline_mode = #tpu.pipeline_mode<synchronous>, transform_indices = @transform_3, window_bounds = array<i64: 96, 96>}, {pipeline_mode = #tpu.pipeline_mode<synchronous>, transform_indices = @transform_4, window_bounds = array<i64: 1, 96>}, {pipeline_mode = #tpu.pipeline_mode<synchronous>, transform_indices = @transform_5, window_bounds = array<i64: 1, 96>}, {pipeline_mode = #tpu.pipeline_mode<synchronous>, transform_indices = @transform_6, window_bounds = array<i64: 1, 96>}, {pipeline_mode = #tpu.pipeline_mode<synchronous>, transform_indices = @transform_7, window_bounds = array<i64: 1, 96>}, {pipeline_mode = #tpu.pipeline_mode<synchronous>, transform_indices = @transform_8, window_bounds = array<i64: 1, 96>}, {pipeline_mode = #tpu.pipeline_mode<synchronous>, transform_indices = @transform_9, window_bounds = array<i64: 96, 96>}, {pipeline_mode = #tpu.pipeline_mode<synchronous>, transform_indices = @transform_10, window_bounds = array<i64: 1, 96>}, {pipeline_mode = #tpu.pipeline_mode<synchronous>, transform_indices = @transform_11, window_bounds = array<i64: 1, 96>}, {pipeline_mode = #tpu.pipeline_mode<synchronous>, transform_indices = @transform_12, window_bounds = array<i64: 1, 96>}, {pipeline_mode = #tpu.pipeline_mode<synchronous>, transform_indices = @transform_13, window_bounds = array<i64: 1, 96>}, {pipeline_mode = #tpu.pipeline_mode<synchronous>, transform_indices = @transform_14, window_bounds = array<i64: 96, 96>}, {pipeline_mode = #tpu.pipeline_mode<synchronous>, transform_indices = @transform_15, window_bounds = array<i64: 1, 96>}, {pipeline_mode = #tpu.pipeline_mode<synchronous>, transform_indices = @transform_16, window_bounds = array<i64: 96, 96>}, {pipeline_mode = #tpu.pipeline_mode<synchronous>, transform_indices = @transform_17, window_bounds = array<i64: 1, 96>}, {pipeline_mode = #tpu.pipeline_mode<synchronous>, transform_indices = @transform_18, window_bounds = array<i64: 96, 96>}, {pipeline_mode = #tpu.pipeline_mode<synchronous>, transform_indices = @transform_19, window_bounds = array<i64: 96, 1>}, {transform_indices = @transform_20, window_bounds = array<i64: 1, 24, 96, 24>}]} {
    %get3A = arith.constant 0 : index
    %get3A_0 = arith.constant 0 : index
    %get3A_1 = arith.constant 0 : index
    %get3A_2 = vector.load %arg1[%get3A, %get3A_0, %get3A_1] : memref<1x576x96xf32, #tpu.memory_space<vmem>>, vector<1x576x96xf32>
    %get3A_3 = vector.shape_cast %get3A_2 : vector<1x576x96xf32> to vector<576x96xf32>
    %get3A_4 = arith.constant 0 : index
    %get3A_5 = arith.constant 0 : index
    %get3A_6 = vector.load %arg2[%get3A_4, %get3A_5] : memref<96x192xf32, #tpu.memory_space<vmem>>, vector<96x192xf32>
    %slice3A = vector.extract_strided_slice %get3A_6 {offsets = [0, 0], sizes = [96, 96], strides = [1, 1]} : vector<96x192xf32> to vector<96x96xf32>
    %slice3A_7 = vector.extract_strided_slice %get3A_6 {offsets = [0, 96], sizes = [96, 96], strides = [1, 1]} : vector<96x192xf32> to vector<96x96xf32>
    %mul3A = arith.mulf %get3A_3, %get3A_3 : vector<576x96xf32>
    %reduce_sum3A = arith.constant dense<0.000000e+00> : vector<576xf32>
    %reduce_sum3A_8 = vector.multi_reduction <add>, %mul3A, %reduce_sum3A [1] : vector<576x96xf32> to vector<576xf32>
    %broadcast_in_dim3A = vector.shape_cast %reduce_sum3A_8 : vector<576xf32> to vector<576x1xf32>
    %sqrt3A = math.sqrt %broadcast_in_dim3A : vector<576x1xf32>
    %max3A = arith.constant 9.99999996E-13 : f32
    %max3A_9 = vector.broadcast %max3A : f32 to vector<576x1xf32>
    %max3A_10 = arith.maximumf %sqrt3A, %max3A_9 : vector<576x1xf32>
    %div3A = vector.broadcast %max3A_10 : vector<576x1xf32> to vector<576x96xf32>
    %div3A_11 = arith.divf %get3A_3, %div3A : vector<576x96xf32>
    %dot_general3A = arith.constant dense<0.000000e+00> : vector<576x576xf32>
    %dot_general3A_12 = tpu.matmul %div3A_11, %div3A_11, %dot_general3A {dimension_numbers = #tpu.dot_dimension_numbers<[1], [1], [0], [0], [0, 0, 1, 0], [], []>, precision = #tpu.contract_precision<fp32>, transpose_lhs_hint = false} : vector<576x96xf32>, vector<576x96xf32>, vector<576x576xf32> -> vector<576x576xf32>
    %iota3A = tpu.iota {dimensions = array<i32: 0>} : vector<576x576xi32>
    %iota3A_13 = tpu.iota {dimensions = array<i32: 1>} : vector<576x576xi32>
    %eq3A = arith.cmpi eq, %iota3A, %iota3A_13 : vector<576x576xi32>
    %jit3A = arith.constant 0xFF800000 : f32
    %broadcast_in_dim3A_14 = vector.broadcast %jit3A : f32 to vector<576x576xf32>
    %select_n3A = arith.select %eq3A, %broadcast_in_dim3A_14, %dot_general3A_12 : vector<576x576xi1>, vector<576x576xf32>
    %sub3A = arith.subf %slice3A, %slice3A_7 : vector<96x96xf32>
    %dot_general3A_15 = arith.constant dense<0.000000e+00> : vector<576x96xf32>
    %dot_general3A_16 = tpu.matmul %get3A_3, %sub3A, %dot_general3A_15 {dimension_numbers = #tpu.dot_dimension_numbers<[1], [1], [0], [0], [0, 0, 1, 0], [], []>, transpose_lhs_hint = false} : vector<576x96xf32>, vector<96x96xf32>, vector<576x96xf32> -> vector<576x96xf32>
    %get3A_17 = arith.constant 0 : index
    %get3A_18 = arith.constant 0 : index
    %get3A_19 = vector.load %arg3[%get3A_17, %get3A_18] : memref<1x96xf32, #tpu.memory_space<vmem>>, vector<1x96xf32>
    %add3A = vector.broadcast %get3A_19 : vector<1x96xf32> to vector<576x96xf32>
    %add3A_20 = arith.addf %dot_general3A_16, %add3A : vector<576x96xf32>
    %dot_general3A_21 = arith.constant dense<0.000000e+00> : vector<576x96xf32>
    %dot_general3A_22 = tpu.matmul %get3A_3, %slice3A_7, %dot_general3A_21 {dimension_numbers = #tpu.dot_dimension_numbers<[1], [1], [0], [0], [0, 0, 1, 0], [], []>, transpose_lhs_hint = false} : vector<576x96xf32>, vector<96x96xf32>, vector<576x96xf32> -> vector<576x96xf32>
    %get3A_23 = arith.constant 0 : index
    %get3A_24 = arith.constant 0 : index
    %get3A_25 = vector.load %arg4[%get3A_23, %get3A_24] : memref<96x96xf32, #tpu.memory_space<vmem>>, vector<96x96xf32>
    %get3A_26 = arith.constant 0 : index
    %get3A_27 = arith.constant 0 : index
    %get3A_28 = vector.load %arg5[%get3A_26, %get3A_27] : memref<1x96xf32, #tpu.memory_space<vmem>>, vector<1x96xf32>
    %broadcast_in_dim3A_29 = arith.constant 0.000000e+00 : f32
    %broadcast_in_dim3A_30 = vector.broadcast %broadcast_in_dim3A_29 : f32 to vector<576x96xf32>
    %reduce_max3A = arith.constant dense<0xFF800000> : vector<576xf32>
    %reduce_max3A_31 = vector.multi_reduction <maximumf>, %select_n3A, %reduce_max3A [1] : vector<576x576xf32> to vector<576xf32>
    %broadcast_in_dim3A_32 = vector.shape_cast %reduce_max3A_31 : vector<576xf32> to vector<576x1xf32>
    %eq3A_33 = vector.broadcast %broadcast_in_dim3A_32 : vector<576x1xf32> to vector<576x576xf32>
    %eq3A_34 = arith.cmpf oeq, %select_n3A, %eq3A_33 : vector<576x576xf32>
    %jit3A_35 = arith.constant 576 : i32
    %broadcast_in_dim3A_36 = vector.broadcast %jit3A_35 : i32 to vector<576x576xi32>
    %select_n3A_37 = arith.select %eq3A_34, %iota3A_13, %broadcast_in_dim3A_36 : vector<576x576xi1>, vector<576x576xi32>
    %reduce_min3A = arith.constant dense<2147483647> : vector<576xi32>
    %reduce_min3A_38 = vector.multi_reduction <minsi>, %select_n3A_37, %reduce_min3A [1] : vector<576x576xi32> to vector<576xi32>
    %broadcast_in_dim3A_39 = vector.shape_cast %reduce_min3A_38 : vector<576xi32> to vector<576x1xi32>
    %eq3A_40 = vector.broadcast %broadcast_in_dim3A_39 : vector<576x1xi32> to vector<576x576xi32>
    %eq3A_41 = arith.cmpi eq, %iota3A_13, %eq3A_40 : vector<576x576xi32>
    %jit3A_42 = arith.constant 0xFF800000 : f32
    %broadcast_in_dim3A_43 = vector.broadcast %jit3A_42 : f32 to vector<576x576xf32>
    %select_n3A_44 = arith.select %eq3A_41, %broadcast_in_dim3A_43, %select_n3A : vector<576x576xi1>, vector<576x576xf32>
    %convert_element_type3A = arith.extui %eq3A_41 : vector<576x576xi1> to vector<576x576xi32>
    %convert_element_type3A_45 = arith.sitofp %convert_element_type3A : vector<576x576xi32> to vector<576x576xf32>
    %dot_general3A_46 = arith.constant dense<0.000000e+00> : vector<576x96xf32>
    %dot_general3A_47 = tpu.matmul %convert_element_type3A_45, %dot_general3A_22, %dot_general3A_46 {dimension_numbers = #tpu.dot_dimension_numbers<[1], [0], [0], [1], [0, 0, 1, 1], [], []>, transpose_lhs_hint = false} : vector<576x576xf32>, vector<576x96xf32>, vector<576x96xf32> -> vector<576x96xf32>
    %add3A_48 = arith.addf %add3A_20, %dot_general3A_47 : vector<576x96xf32>
    %gt3A = arith.constant 0.000000e+00 : f32
    %gt3A_49 = vector.broadcast %gt3A : f32 to vector<576x96xf32>
    %gt3A_50 = arith.cmpf ogt, %add3A_48, %gt3A_49 : vector<576x96xf32>
    %mul3A_51 = arith.constant 2.000000e-01 : f32
    %mul3A_52 = vector.broadcast %mul3A_51 : f32 to vector<576x96xf32>
    %mul3A_53 = arith.mulf %mul3A_52, %add3A_48 : vector<576x96xf32>
    %select_n3A_54 = arith.select %gt3A_50, %add3A_48, %mul3A_53 : vector<576x96xi1>, vector<576x96xf32>
    %dot_general3A_55 = arith.constant dense<0.000000e+00> : vector<576x96xf32>
    %dot_general3A_56 = tpu.matmul %select_n3A_54, %get3A_25, %dot_general3A_55 {dimension_numbers = #tpu.dot_dimension_numbers<[1], [1], [0], [0], [0, 0, 1, 0], [], []>, transpose_lhs_hint = false} : vector<576x96xf32>, vector<96x96xf32>, vector<576x96xf32> -> vector<576x96xf32>
    %add3A_57 = vector.broadcast %get3A_28 : vector<1x96xf32> to vector<576x96xf32>
    %add3A_58 = arith.addf %dot_general3A_56, %add3A_57 : vector<576x96xf32>
    %gt3A_59 = arith.constant 0.000000e+00 : f32
    %gt3A_60 = vector.broadcast %gt3A_59 : f32 to vector<576x96xf32>
    %gt3A_61 = arith.cmpf ogt, %add3A_58, %gt3A_60 : vector<576x96xf32>
    %mul3A_62 = arith.constant 2.000000e-01 : f32
    %mul3A_63 = vector.broadcast %mul3A_62 : f32 to vector<576x96xf32>
    %mul3A_64 = arith.mulf %mul3A_63, %add3A_58 : vector<576x96xf32>
    %select_n3A_65 = arith.select %gt3A_61, %add3A_58, %mul3A_64 : vector<576x96xi1>, vector<576x96xf32>
    %add3A_66 = arith.addf %broadcast_in_dim3A_30, %select_n3A_65 : vector<576x96xf32>
    %reduce_max3A_67 = arith.constant dense<0xFF800000> : vector<576xf32>
    %reduce_max3A_68 = vector.multi_reduction <maximumf>, %select_n3A_44, %reduce_max3A_67 [1] : vector<576x576xf32> to vector<576xf32>
    %broadcast_in_dim3A_69 = vector.shape_cast %reduce_max3A_68 : vector<576xf32> to vector<576x1xf32>
    %eq3A_70 = vector.broadcast %broadcast_in_dim3A_69 : vector<576x1xf32> to vector<576x576xf32>
    %eq3A_71 = arith.cmpf oeq, %select_n3A_44, %eq3A_70 : vector<576x576xf32>
    %jit3A_72 = arith.constant 576 : i32
    %broadcast_in_dim3A_73 = vector.broadcast %jit3A_72 : i32 to vector<576x576xi32>
    %select_n3A_74 = arith.select %eq3A_71, %iota3A_13, %broadcast_in_dim3A_73 : vector<576x576xi1>, vector<576x576xi32>
    %reduce_min3A_75 = arith.constant dense<2147483647> : vector<576xi32>
    %reduce_min3A_76 = vector.multi_reduction <minsi>, %select_n3A_74, %reduce_min3A_75 [1] : vector<576x576xi32> to vector<576xi32>
    %broadcast_in_dim3A_77 = vector.shape_cast %reduce_min3A_76 : vector<576xi32> to vector<576x1xi32>
    %eq3A_78 = vector.broadcast %broadcast_in_dim3A_77 : vector<576x1xi32> to vector<576x576xi32>
    %eq3A_79 = arith.cmpi eq, %iota3A_13, %eq3A_78 : vector<576x576xi32>
    %jit3A_80 = arith.constant 0xFF800000 : f32
    %broadcast_in_dim3A_81 = vector.broadcast %jit3A_80 : f32 to vector<576x576xf32>
    %select_n3A_82 = arith.select %eq3A_79, %broadcast_in_dim3A_81, %select_n3A_44 : vector<576x576xi1>, vector<576x576xf32>
    %convert_element_type3A_83 = arith.extui %eq3A_79 : vector<576x576xi1> to vector<576x576xi32>
    %convert_element_type3A_84 = arith.sitofp %convert_element_type3A_83 : vector<576x576xi32> to vector<576x576xf32>
    %dot_general3A_85 = arith.constant dense<0.000000e+00> : vector<576x96xf32>
    %dot_general3A_86 = tpu.matmul %convert_element_type3A_84, %dot_general3A_22, %dot_general3A_85 {dimension_numbers = #tpu.dot_dimension_numbers<[1], [0], [0], [1], [0, 0, 1, 1], [], []>, transpose_lhs_hint = false} : vector<576x576xf32>, vector<576x96xf32>, vector<576x96xf32> -> vector<576x96xf32>
    %add3A_87 = arith.addf %add3A_20, %dot_general3A_86 : vector<576x96xf32>
    %gt3A_88 = arith.constant 0.000000e+00 : f32
    %gt3A_89 = vector.broadcast %gt3A_88 : f32 to vector<576x96xf32>
    %gt3A_90 = arith.cmpf ogt, %add3A_87, %gt3A_89 : vector<576x96xf32>
    %mul3A_91 = arith.constant 2.000000e-01 : f32
    %mul3A_92 = vector.broadcast %mul3A_91 : f32 to vector<576x96xf32>
    %mul3A_93 = arith.mulf %mul3A_92, %add3A_87 : vector<576x96xf32>
    %select_n3A_94 = arith.select %gt3A_90, %add3A_87, %mul3A_93 : vector<576x96xi1>, vector<576x96xf32>
    %dot_general3A_95 = arith.constant dense<0.000000e+00> : vector<576x96xf32>
    %dot_general3A_96 = tpu.matmul %select_n3A_94, %get3A_25, %dot_general3A_95 {dimension_numbers = #tpu.dot_dimension_numbers<[1], [1], [0], [0], [0, 0, 1, 0], [], []>, transpose_lhs_hint = false} : vector<576x96xf32>, vector<96x96xf32>, vector<576x96xf32> -> vector<576x96xf32>
    %add3A_97 = vector.broadcast %get3A_28 : vector<1x96xf32> to vector<576x96xf32>
    %add3A_98 = arith.addf %dot_general3A_96, %add3A_97 : vector<576x96xf32>
    %gt3A_99 = arith.constant 0.000000e+00 : f32
    %gt3A_100 = vector.broadcast %gt3A_99 : f32 to vector<576x96xf32>
    %gt3A_101 = arith.cmpf ogt, %add3A_98, %gt3A_100 : vector<576x96xf32>
    %mul3A_102 = arith.constant 2.000000e-01 : f32
    %mul3A_103 = vector.broadcast %mul3A_102 : f32 to vector<576x96xf32>
    %mul3A_104 = arith.mulf %mul3A_103, %add3A_98 : vector<576x96xf32>
    %select_n3A_105 = arith.select %gt3A_101, %add3A_98, %mul3A_104 : vector<576x96xi1>, vector<576x96xf32>
    %add3A_106 = arith.addf %add3A_66, %select_n3A_105 : vector<576x96xf32>
    %reduce_max3A_107 = arith.constant dense<0xFF800000> : vector<576xf32>
    %reduce_max3A_108 = vector.multi_reduction <maximumf>, %select_n3A_82, %reduce_max3A_107 [1] : vector<576x576xf32> to vector<576xf32>
    %broadcast_in_dim3A_109 = vector.shape_cast %reduce_max3A_108 : vector<576xf32> to vector<576x1xf32>
    %eq3A_110 = vector.broadcast %broadcast_in_dim3A_109 : vector<576x1xf32> to vector<576x576xf32>
    %eq3A_111 = arith.cmpf oeq, %select_n3A_82, %eq3A_110 : vector<576x576xf32>
    %jit3A_112 = arith.constant 576 : i32
    %broadcast_in_dim3A_113 = vector.broadcast %jit3A_112 : i32 to vector<576x576xi32>
    %select_n3A_114 = arith.select %eq3A_111, %iota3A_13, %broadcast_in_dim3A_113 : vector<576x576xi1>, vector<576x576xi32>
    %reduce_min3A_115 = arith.constant dense<2147483647> : vector<576xi32>
    %reduce_min3A_116 = vector.multi_reduction <minsi>, %select_n3A_114, %reduce_min3A_115 [1] : vector<576x576xi32> to vector<576xi32>
    %broadcast_in_dim3A_117 = vector.shape_cast %reduce_min3A_116 : vector<576xi32> to vector<576x1xi32>
    %eq3A_118 = vector.broadcast %broadcast_in_dim3A_117 : vector<576x1xi32> to vector<576x576xi32>
    %eq3A_119 = arith.cmpi eq, %iota3A_13, %eq3A_118 : vector<576x576xi32>
    %jit3A_120 = arith.constant 0xFF800000 : f32
    %broadcast_in_dim3A_121 = vector.broadcast %jit3A_120 : f32 to vector<576x576xf32>
    %select_n3A_122 = arith.select %eq3A_119, %broadcast_in_dim3A_121, %select_n3A_82 : vector<576x576xi1>, vector<576x576xf32>
    %convert_element_type3A_123 = arith.extui %eq3A_119 : vector<576x576xi1> to vector<576x576xi32>
    %convert_element_type3A_124 = arith.sitofp %convert_element_type3A_123 : vector<576x576xi32> to vector<576x576xf32>
    %dot_general3A_125 = arith.constant dense<0.000000e+00> : vector<576x96xf32>
    %dot_general3A_126 = tpu.matmul %convert_element_type3A_124, %dot_general3A_22, %dot_general3A_125 {dimension_numbers = #tpu.dot_dimension_numbers<[1], [0], [0], [1], [0, 0, 1, 1], [], []>, transpose_lhs_hint = false} : vector<576x576xf32>, vector<576x96xf32>, vector<576x96xf32> -> vector<576x96xf32>
    %add3A_127 = arith.addf %add3A_20, %dot_general3A_126 : vector<576x96xf32>
    %gt3A_128 = arith.constant 0.000000e+00 : f32
    %gt3A_129 = vector.broadcast %gt3A_128 : f32 to vector<576x96xf32>
    %gt3A_130 = arith.cmpf ogt, %add3A_127, %gt3A_129 : vector<576x96xf32>
    %mul3A_131 = arith.constant 2.000000e-01 : f32
    %mul3A_132 = vector.broadcast %mul3A_131 : f32 to vector<576x96xf32>
    %mul3A_133 = arith.mulf %mul3A_132, %add3A_127 : vector<576x96xf32>
    %select_n3A_134 = arith.select %gt3A_130, %add3A_127, %mul3A_133 : vector<576x96xi1>, vector<576x96xf32>
    %dot_general3A_135 = arith.constant dense<0.000000e+00> : vector<576x96xf32>
    %dot_general3A_136 = tpu.matmul %select_n3A_134, %get3A_25, %dot_general3A_135 {dimension_numbers = #tpu.dot_dimension_numbers<[1], [1], [0], [0], [0, 0, 1, 0], [], []>, transpose_lhs_hint = false} : vector<576x96xf32>, vector<96x96xf32>, vector<576x96xf32> -> vector<576x96xf32>
    %add3A_137 = vector.broadcast %get3A_28 : vector<1x96xf32> to vector<576x96xf32>
    %add3A_138 = arith.addf %dot_general3A_136, %add3A_137 : vector<576x96xf32>
    %gt3A_139 = arith.constant 0.000000e+00 : f32
    %gt3A_140 = vector.broadcast %gt3A_139 : f32 to vector<576x96xf32>
    %gt3A_141 = arith.cmpf ogt, %add3A_138, %gt3A_140 : vector<576x96xf32>
    %mul3A_142 = arith.constant 2.000000e-01 : f32
    %mul3A_143 = vector.broadcast %mul3A_142 : f32 to vector<576x96xf32>
    %mul3A_144 = arith.mulf %mul3A_143, %add3A_138 : vector<576x96xf32>
    %select_n3A_145 = arith.select %gt3A_141, %add3A_138, %mul3A_144 : vector<576x96xi1>, vector<576x96xf32>
    %add3A_146 = arith.addf %add3A_106, %select_n3A_145 : vector<576x96xf32>
    %reduce_max3A_147 = arith.constant dense<0xFF800000> : vector<576xf32>
    %reduce_max3A_148 = vector.multi_reduction <maximumf>, %select_n3A_122, %reduce_max3A_147 [1] : vector<576x576xf32> to vector<576xf32>
    %broadcast_in_dim3A_149 = vector.shape_cast %reduce_max3A_148 : vector<576xf32> to vector<576x1xf32>
    %eq3A_150 = vector.broadcast %broadcast_in_dim3A_149 : vector<576x1xf32> to vector<576x576xf32>
    %eq3A_151 = arith.cmpf oeq, %select_n3A_122, %eq3A_150 : vector<576x576xf32>
    %jit3A_152 = arith.constant 576 : i32
    %broadcast_in_dim3A_153 = vector.broadcast %jit3A_152 : i32 to vector<576x576xi32>
    %select_n3A_154 = arith.select %eq3A_151, %iota3A_13, %broadcast_in_dim3A_153 : vector<576x576xi1>, vector<576x576xi32>
    %reduce_min3A_155 = arith.constant dense<2147483647> : vector<576xi32>
    %reduce_min3A_156 = vector.multi_reduction <minsi>, %select_n3A_154, %reduce_min3A_155 [1] : vector<576x576xi32> to vector<576xi32>
    %broadcast_in_dim3A_157 = vector.shape_cast %reduce_min3A_156 : vector<576xi32> to vector<576x1xi32>
    %eq3A_158 = vector.broadcast %broadcast_in_dim3A_157 : vector<576x1xi32> to vector<576x576xi32>
    %eq3A_159 = arith.cmpi eq, %iota3A_13, %eq3A_158 : vector<576x576xi32>
    %jit3A_160 = arith.constant 0xFF800000 : f32
    %broadcast_in_dim3A_161 = vector.broadcast %jit3A_160 : f32 to vector<576x576xf32>
    %select_n3A_162 = arith.select %eq3A_159, %broadcast_in_dim3A_161, %select_n3A_122 : vector<576x576xi1>, vector<576x576xf32>
    %convert_element_type3A_163 = arith.extui %eq3A_159 : vector<576x576xi1> to vector<576x576xi32>
    %convert_element_type3A_164 = arith.sitofp %convert_element_type3A_163 : vector<576x576xi32> to vector<576x576xf32>
    %dot_general3A_165 = arith.constant dense<0.000000e+00> : vector<576x96xf32>
    %dot_general3A_166 = tpu.matmul %convert_element_type3A_164, %dot_general3A_22, %dot_general3A_165 {dimension_numbers = #tpu.dot_dimension_numbers<[1], [0], [0], [1], [0, 0, 1, 1], [], []>, transpose_lhs_hint = false} : vector<576x576xf32>, vector<576x96xf32>, vector<576x96xf32> -> vector<576x96xf32>
    %add3A_167 = arith.addf %add3A_20, %dot_general3A_166 : vector<576x96xf32>
    %gt3A_168 = arith.constant 0.000000e+00 : f32
    %gt3A_169 = vector.broadcast %gt3A_168 : f32 to vector<576x96xf32>
    %gt3A_170 = arith.cmpf ogt, %add3A_167, %gt3A_169 : vector<576x96xf32>
    %mul3A_171 = arith.constant 2.000000e-01 : f32
    %mul3A_172 = vector.broadcast %mul3A_171 : f32 to vector<576x96xf32>
    %mul3A_173 = arith.mulf %mul3A_172, %add3A_167 : vector<576x96xf32>
    %select_n3A_174 = arith.select %gt3A_170, %add3A_167, %mul3A_173 : vector<576x96xi1>, vector<576x96xf32>
    %dot_general3A_175 = arith.constant dense<0.000000e+00> : vector<576x96xf32>
    %dot_general3A_176 = tpu.matmul %select_n3A_174, %get3A_25, %dot_general3A_175 {dimension_numbers = #tpu.dot_dimension_numbers<[1], [1], [0], [0], [0, 0, 1, 0], [], []>, transpose_lhs_hint = false} : vector<576x96xf32>, vector<96x96xf32>, vector<576x96xf32> -> vector<576x96xf32>
    %add3A_177 = vector.broadcast %get3A_28 : vector<1x96xf32> to vector<576x96xf32>
    %add3A_178 = arith.addf %dot_general3A_176, %add3A_177 : vector<576x96xf32>
    %gt3A_179 = arith.constant 0.000000e+00 : f32
    %gt3A_180 = vector.broadcast %gt3A_179 : f32 to vector<576x96xf32>
    %gt3A_181 = arith.cmpf ogt, %add3A_178, %gt3A_180 : vector<576x96xf32>
    %mul3A_182 = arith.constant 2.000000e-01 : f32
    %mul3A_183 = vector.broadcast %mul3A_182 : f32 to vector<576x96xf32>
    %mul3A_184 = arith.mulf %mul3A_183, %add3A_178 : vector<576x96xf32>
    %select_n3A_185 = arith.select %gt3A_181, %add3A_178, %mul3A_184 : vector<576x96xi1>, vector<576x96xf32>
    %add3A_186 = arith.addf %add3A_146, %select_n3A_185 : vector<576x96xf32>
    %reduce_max3A_187 = arith.constant dense<0xFF800000> : vector<576xf32>
    %reduce_max3A_188 = vector.multi_reduction <maximumf>, %select_n3A_162, %reduce_max3A_187 [1] : vector<576x576xf32> to vector<576xf32>
    %broadcast_in_dim3A_189 = vector.shape_cast %reduce_max3A_188 : vector<576xf32> to vector<576x1xf32>
    %eq3A_190 = vector.broadcast %broadcast_in_dim3A_189 : vector<576x1xf32> to vector<576x576xf32>
    %eq3A_191 = arith.cmpf oeq, %select_n3A_162, %eq3A_190 : vector<576x576xf32>
    %jit3A_192 = arith.constant 576 : i32
    %broadcast_in_dim3A_193 = vector.broadcast %jit3A_192 : i32 to vector<576x576xi32>
    %select_n3A_194 = arith.select %eq3A_191, %iota3A_13, %broadcast_in_dim3A_193 : vector<576x576xi1>, vector<576x576xi32>
    %reduce_min3A_195 = arith.constant dense<2147483647> : vector<576xi32>
    %reduce_min3A_196 = vector.multi_reduction <minsi>, %select_n3A_194, %reduce_min3A_195 [1] : vector<576x576xi32> to vector<576xi32>
    %broadcast_in_dim3A_197 = vector.shape_cast %reduce_min3A_196 : vector<576xi32> to vector<576x1xi32>
    %eq3A_198 = vector.broadcast %broadcast_in_dim3A_197 : vector<576x1xi32> to vector<576x576xi32>
    %eq3A_199 = arith.cmpi eq, %iota3A_13, %eq3A_198 : vector<576x576xi32>
    %jit3A_200 = arith.constant 0xFF800000 : f32
    %broadcast_in_dim3A_201 = vector.broadcast %jit3A_200 : f32 to vector<576x576xf32>
    %select_n3A_202 = arith.select %eq3A_199, %broadcast_in_dim3A_201, %select_n3A_162 : vector<576x576xi1>, vector<576x576xf32>
    %convert_element_type3A_203 = arith.extui %eq3A_199 : vector<576x576xi1> to vector<576x576xi32>
    %convert_element_type3A_204 = arith.sitofp %convert_element_type3A_203 : vector<576x576xi32> to vector<576x576xf32>
    %dot_general3A_205 = arith.constant dense<0.000000e+00> : vector<576x96xf32>
    %dot_general3A_206 = tpu.matmul %convert_element_type3A_204, %dot_general3A_22, %dot_general3A_205 {dimension_numbers = #tpu.dot_dimension_numbers<[1], [0], [0], [1], [0, 0, 1, 1], [], []>, transpose_lhs_hint = false} : vector<576x576xf32>, vector<576x96xf32>, vector<576x96xf32> -> vector<576x96xf32>
    %add3A_207 = arith.addf %add3A_20, %dot_general3A_206 : vector<576x96xf32>
    %gt3A_208 = arith.constant 0.000000e+00 : f32
    %gt3A_209 = vector.broadcast %gt3A_208 : f32 to vector<576x96xf32>
    %gt3A_210 = arith.cmpf ogt, %add3A_207, %gt3A_209 : vector<576x96xf32>
    %mul3A_211 = arith.constant 2.000000e-01 : f32
    %mul3A_212 = vector.broadcast %mul3A_211 : f32 to vector<576x96xf32>
    %mul3A_213 = arith.mulf %mul3A_212, %add3A_207 : vector<576x96xf32>
    %select_n3A_214 = arith.select %gt3A_210, %add3A_207, %mul3A_213 : vector<576x96xi1>, vector<576x96xf32>
    %dot_general3A_215 = arith.constant dense<0.000000e+00> : vector<576x96xf32>
    %dot_general3A_216 = tpu.matmul %select_n3A_214, %get3A_25, %dot_general3A_215 {dimension_numbers = #tpu.dot_dimension_numbers<[1], [1], [0], [0], [0, 0, 1, 0], [], []>, transpose_lhs_hint = false} : vector<576x96xf32>, vector<96x96xf32>, vector<576x96xf32> -> vector<576x96xf32>
    %add3A_217 = vector.broadcast %get3A_28 : vector<1x96xf32> to vector<576x96xf32>
    %add3A_218 = arith.addf %dot_general3A_216, %add3A_217 : vector<576x96xf32>
    %gt3A_219 = arith.constant 0.000000e+00 : f32
    %gt3A_220 = vector.broadcast %gt3A_219 : f32 to vector<576x96xf32>
    %gt3A_221 = arith.cmpf ogt, %add3A_218, %gt3A_220 : vector<576x96xf32>
    %mul3A_222 = arith.constant 2.000000e-01 : f32
    %mul3A_223 = vector.broadcast %mul3A_222 : f32 to vector<576x96xf32>
    %mul3A_224 = arith.mulf %mul3A_223, %add3A_218 : vector<576x96xf32>
    %select_n3A_225 = arith.select %gt3A_221, %add3A_218, %mul3A_224 : vector<576x96xi1>, vector<576x96xf32>
    %add3A_226 = arith.addf %add3A_186, %select_n3A_225 : vector<576x96xf32>
    %reduce_max3A_227 = arith.constant dense<0xFF800000> : vector<576xf32>
    %reduce_max3A_228 = vector.multi_reduction <maximumf>, %select_n3A_202, %reduce_max3A_227 [1] : vector<576x576xf32> to vector<576xf32>
    %broadcast_in_dim3A_229 = vector.shape_cast %reduce_max3A_228 : vector<576xf32> to vector<576x1xf32>
    %eq3A_230 = vector.broadcast %broadcast_in_dim3A_229 : vector<576x1xf32> to vector<576x576xf32>
    %eq3A_231 = arith.cmpf oeq, %select_n3A_202, %eq3A_230 : vector<576x576xf32>
    %jit3A_232 = arith.constant 576 : i32
    %broadcast_in_dim3A_233 = vector.broadcast %jit3A_232 : i32 to vector<576x576xi32>
    %select_n3A_234 = arith.select %eq3A_231, %iota3A_13, %broadcast_in_dim3A_233 : vector<576x576xi1>, vector<576x576xi32>
    %reduce_min3A_235 = arith.constant dense<2147483647> : vector<576xi32>
    %reduce_min3A_236 = vector.multi_reduction <minsi>, %select_n3A_234, %reduce_min3A_235 [1] : vector<576x576xi32> to vector<576xi32>
    %broadcast_in_dim3A_237 = vector.shape_cast %reduce_min3A_236 : vector<576xi32> to vector<576x1xi32>
    %eq3A_238 = vector.broadcast %broadcast_in_dim3A_237 : vector<576x1xi32> to vector<576x576xi32>
    %eq3A_239 = arith.cmpi eq, %iota3A_13, %eq3A_238 : vector<576x576xi32>
    %jit3A_240 = arith.constant 0xFF800000 : f32
    %broadcast_in_dim3A_241 = vector.broadcast %jit3A_240 : f32 to vector<576x576xf32>
    %select_n3A_242 = arith.select %eq3A_239, %broadcast_in_dim3A_241, %select_n3A_202 : vector<576x576xi1>, vector<576x576xf32>
    %convert_element_type3A_243 = arith.extui %eq3A_239 : vector<576x576xi1> to vector<576x576xi32>
    %convert_element_type3A_244 = arith.sitofp %convert_element_type3A_243 : vector<576x576xi32> to vector<576x576xf32>
    %dot_general3A_245 = arith.constant dense<0.000000e+00> : vector<576x96xf32>
    %dot_general3A_246 = tpu.matmul %convert_element_type3A_244, %dot_general3A_22, %dot_general3A_245 {dimension_numbers = #tpu.dot_dimension_numbers<[1], [0], [0], [1], [0, 0, 1, 1], [], []>, transpose_lhs_hint = false} : vector<576x576xf32>, vector<576x96xf32>, vector<576x96xf32> -> vector<576x96xf32>
    %add3A_247 = arith.addf %add3A_20, %dot_general3A_246 : vector<576x96xf32>
    %gt3A_248 = arith.constant 0.000000e+00 : f32
    %gt3A_249 = vector.broadcast %gt3A_248 : f32 to vector<576x96xf32>
    %gt3A_250 = arith.cmpf ogt, %add3A_247, %gt3A_249 : vector<576x96xf32>
    %mul3A_251 = arith.constant 2.000000e-01 : f32
    %mul3A_252 = vector.broadcast %mul3A_251 : f32 to vector<576x96xf32>
    %mul3A_253 = arith.mulf %mul3A_252, %add3A_247 : vector<576x96xf32>
    %select_n3A_254 = arith.select %gt3A_250, %add3A_247, %mul3A_253 : vector<576x96xi1>, vector<576x96xf32>
    %dot_general3A_255 = arith.constant dense<0.000000e+00> : vector<576x96xf32>
    %dot_general3A_256 = tpu.matmul %select_n3A_254, %get3A_25, %dot_general3A_255 {dimension_numbers = #tpu.dot_dimension_numbers<[1], [1], [0], [0], [0, 0, 1, 0], [], []>, transpose_lhs_hint = false} : vector<576x96xf32>, vector<96x96xf32>, vector<576x96xf32> -> vector<576x96xf32>
    %add3A_257 = vector.broadcast %get3A_28 : vector<1x96xf32> to vector<576x96xf32>
    %add3A_258 = arith.addf %dot_general3A_256, %add3A_257 : vector<576x96xf32>
    %gt3A_259 = arith.constant 0.000000e+00 : f32
    %gt3A_260 = vector.broadcast %gt3A_259 : f32 to vector<576x96xf32>
    %gt3A_261 = arith.cmpf ogt, %add3A_258, %gt3A_260 : vector<576x96xf32>
    %mul3A_262 = arith.constant 2.000000e-01 : f32
    %mul3A_263 = vector.broadcast %mul3A_262 : f32 to vector<576x96xf32>
    %mul3A_264 = arith.mulf %mul3A_263, %add3A_258 : vector<576x96xf32>
    %select_n3A_265 = arith.select %gt3A_261, %add3A_258, %mul3A_264 : vector<576x96xi1>, vector<576x96xf32>
    %add3A_266 = arith.addf %add3A_226, %select_n3A_265 : vector<576x96xf32>
    %reduce_max3A_267 = arith.constant dense<0xFF800000> : vector<576xf32>
    %reduce_max3A_268 = vector.multi_reduction <maximumf>, %select_n3A_242, %reduce_max3A_267 [1] : vector<576x576xf32> to vector<576xf32>
    %broadcast_in_dim3A_269 = vector.shape_cast %reduce_max3A_268 : vector<576xf32> to vector<576x1xf32>
    %eq3A_270 = vector.broadcast %broadcast_in_dim3A_269 : vector<576x1xf32> to vector<576x576xf32>
    %eq3A_271 = arith.cmpf oeq, %select_n3A_242, %eq3A_270 : vector<576x576xf32>
    %jit3A_272 = arith.constant 576 : i32
    %broadcast_in_dim3A_273 = vector.broadcast %jit3A_272 : i32 to vector<576x576xi32>
    %select_n3A_274 = arith.select %eq3A_271, %iota3A_13, %broadcast_in_dim3A_273 : vector<576x576xi1>, vector<576x576xi32>
    %reduce_min3A_275 = arith.constant dense<2147483647> : vector<576xi32>
    %reduce_min3A_276 = vector.multi_reduction <minsi>, %select_n3A_274, %reduce_min3A_275 [1] : vector<576x576xi32> to vector<576xi32>
    %broadcast_in_dim3A_277 = vector.shape_cast %reduce_min3A_276 : vector<576xi32> to vector<576x1xi32>
    %eq3A_278 = vector.broadcast %broadcast_in_dim3A_277 : vector<576x1xi32> to vector<576x576xi32>
    %eq3A_279 = arith.cmpi eq, %iota3A_13, %eq3A_278 : vector<576x576xi32>
    %jit3A_280 = arith.constant 0xFF800000 : f32
    %broadcast_in_dim3A_281 = vector.broadcast %jit3A_280 : f32 to vector<576x576xf32>
    %select_n3A_282 = arith.select %eq3A_279, %broadcast_in_dim3A_281, %select_n3A_242 : vector<576x576xi1>, vector<576x576xf32>
    %convert_element_type3A_283 = arith.extui %eq3A_279 : vector<576x576xi1> to vector<576x576xi32>
    %convert_element_type3A_284 = arith.sitofp %convert_element_type3A_283 : vector<576x576xi32> to vector<576x576xf32>
    %dot_general3A_285 = arith.constant dense<0.000000e+00> : vector<576x96xf32>
    %dot_general3A_286 = tpu.matmul %convert_element_type3A_284, %dot_general3A_22, %dot_general3A_285 {dimension_numbers = #tpu.dot_dimension_numbers<[1], [0], [0], [1], [0, 0, 1, 1], [], []>, transpose_lhs_hint = false} : vector<576x576xf32>, vector<576x96xf32>, vector<576x96xf32> -> vector<576x96xf32>
    %add3A_287 = arith.addf %add3A_20, %dot_general3A_286 : vector<576x96xf32>
    %gt3A_288 = arith.constant 0.000000e+00 : f32
    %gt3A_289 = vector.broadcast %gt3A_288 : f32 to vector<576x96xf32>
    %gt3A_290 = arith.cmpf ogt, %add3A_287, %gt3A_289 : vector<576x96xf32>
    %mul3A_291 = arith.constant 2.000000e-01 : f32
    %mul3A_292 = vector.broadcast %mul3A_291 : f32 to vector<576x96xf32>
    %mul3A_293 = arith.mulf %mul3A_292, %add3A_287 : vector<576x96xf32>
    %select_n3A_294 = arith.select %gt3A_290, %add3A_287, %mul3A_293 : vector<576x96xi1>, vector<576x96xf32>
    %dot_general3A_295 = arith.constant dense<0.000000e+00> : vector<576x96xf32>
    %dot_general3A_296 = tpu.matmul %select_n3A_294, %get3A_25, %dot_general3A_295 {dimension_numbers = #tpu.dot_dimension_numbers<[1], [1], [0], [0], [0, 0, 1, 0], [], []>, transpose_lhs_hint = false} : vector<576x96xf32>, vector<96x96xf32>, vector<576x96xf32> -> vector<576x96xf32>
    %add3A_297 = vector.broadcast %get3A_28 : vector<1x96xf32> to vector<576x96xf32>
    %add3A_298 = arith.addf %dot_general3A_296, %add3A_297 : vector<576x96xf32>
    %gt3A_299 = arith.constant 0.000000e+00 : f32
    %gt3A_300 = vector.broadcast %gt3A_299 : f32 to vector<576x96xf32>
    %gt3A_301 = arith.cmpf ogt, %add3A_298, %gt3A_300 : vector<576x96xf32>
    %mul3A_302 = arith.constant 2.000000e-01 : f32
    %mul3A_303 = vector.broadcast %mul3A_302 : f32 to vector<576x96xf32>
    %mul3A_304 = arith.mulf %mul3A_303, %add3A_298 : vector<576x96xf32>
    %select_n3A_305 = arith.select %gt3A_301, %add3A_298, %mul3A_304 : vector<576x96xi1>, vector<576x96xf32>
    %add3A_306 = arith.addf %add3A_266, %select_n3A_305 : vector<576x96xf32>
    %reduce_max3A_307 = arith.constant dense<0xFF800000> : vector<576xf32>
    %reduce_max3A_308 = vector.multi_reduction <maximumf>, %select_n3A_282, %reduce_max3A_307 [1] : vector<576x576xf32> to vector<576xf32>
    %broadcast_in_dim3A_309 = vector.shape_cast %reduce_max3A_308 : vector<576xf32> to vector<576x1xf32>
    %eq3A_310 = vector.broadcast %broadcast_in_dim3A_309 : vector<576x1xf32> to vector<576x576xf32>
    %eq3A_311 = arith.cmpf oeq, %select_n3A_282, %eq3A_310 : vector<576x576xf32>
    %jit3A_312 = arith.constant 576 : i32
    %broadcast_in_dim3A_313 = vector.broadcast %jit3A_312 : i32 to vector<576x576xi32>
    %select_n3A_314 = arith.select %eq3A_311, %iota3A_13, %broadcast_in_dim3A_313 : vector<576x576xi1>, vector<576x576xi32>
    %reduce_min3A_315 = arith.constant dense<2147483647> : vector<576xi32>
    %reduce_min3A_316 = vector.multi_reduction <minsi>, %select_n3A_314, %reduce_min3A_315 [1] : vector<576x576xi32> to vector<576xi32>
    %broadcast_in_dim3A_317 = vector.shape_cast %reduce_min3A_316 : vector<576xi32> to vector<576x1xi32>
    %eq3A_318 = vector.broadcast %broadcast_in_dim3A_317 : vector<576x1xi32> to vector<576x576xi32>
    %eq3A_319 = arith.cmpi eq, %iota3A_13, %eq3A_318 : vector<576x576xi32>
    %jit3A_320 = arith.constant 0xFF800000 : f32
    %broadcast_in_dim3A_321 = vector.broadcast %jit3A_320 : f32 to vector<576x576xf32>
    %select_n3A_322 = arith.select %eq3A_319, %broadcast_in_dim3A_321, %select_n3A_282 : vector<576x576xi1>, vector<576x576xf32>
    %convert_element_type3A_323 = arith.extui %eq3A_319 : vector<576x576xi1> to vector<576x576xi32>
    %convert_element_type3A_324 = arith.sitofp %convert_element_type3A_323 : vector<576x576xi32> to vector<576x576xf32>
    %dot_general3A_325 = arith.constant dense<0.000000e+00> : vector<576x96xf32>
    %dot_general3A_326 = tpu.matmul %convert_element_type3A_324, %dot_general3A_22, %dot_general3A_325 {dimension_numbers = #tpu.dot_dimension_numbers<[1], [0], [0], [1], [0, 0, 1, 1], [], []>, transpose_lhs_hint = false} : vector<576x576xf32>, vector<576x96xf32>, vector<576x96xf32> -> vector<576x96xf32>
    %add3A_327 = arith.addf %add3A_20, %dot_general3A_326 : vector<576x96xf32>
    %gt3A_328 = arith.constant 0.000000e+00 : f32
    %gt3A_329 = vector.broadcast %gt3A_328 : f32 to vector<576x96xf32>
    %gt3A_330 = arith.cmpf ogt, %add3A_327, %gt3A_329 : vector<576x96xf32>
    %mul3A_331 = arith.constant 2.000000e-01 : f32
    %mul3A_332 = vector.broadcast %mul3A_331 : f32 to vector<576x96xf32>
    %mul3A_333 = arith.mulf %mul3A_332, %add3A_327 : vector<576x96xf32>
    %select_n3A_334 = arith.select %gt3A_330, %add3A_327, %mul3A_333 : vector<576x96xi1>, vector<576x96xf32>
    %dot_general3A_335 = arith.constant dense<0.000000e+00> : vector<576x96xf32>
    %dot_general3A_336 = tpu.matmul %select_n3A_334, %get3A_25, %dot_general3A_335 {dimension_numbers = #tpu.dot_dimension_numbers<[1], [1], [0], [0], [0, 0, 1, 0], [], []>, transpose_lhs_hint = false} : vector<576x96xf32>, vector<96x96xf32>, vector<576x96xf32> -> vector<576x96xf32>
    %add3A_337 = vector.broadcast %get3A_28 : vector<1x96xf32> to vector<576x96xf32>
    %add3A_338 = arith.addf %dot_general3A_336, %add3A_337 : vector<576x96xf32>
    %gt3A_339 = arith.constant 0.000000e+00 : f32
    %gt3A_340 = vector.broadcast %gt3A_339 : f32 to vector<576x96xf32>
    %gt3A_341 = arith.cmpf ogt, %add3A_338, %gt3A_340 : vector<576x96xf32>
    %mul3A_342 = arith.constant 2.000000e-01 : f32
    %mul3A_343 = vector.broadcast %mul3A_342 : f32 to vector<576x96xf32>
    %mul3A_344 = arith.mulf %mul3A_343, %add3A_338 : vector<576x96xf32>
    %select_n3A_345 = arith.select %gt3A_341, %add3A_338, %mul3A_344 : vector<576x96xi1>, vector<576x96xf32>
    %add3A_346 = arith.addf %add3A_306, %select_n3A_345 : vector<576x96xf32>
    %reduce_max3A_347 = arith.constant dense<0xFF800000> : vector<576xf32>
    %reduce_max3A_348 = vector.multi_reduction <maximumf>, %select_n3A_322, %reduce_max3A_347 [1] : vector<576x576xf32> to vector<576xf32>
    %broadcast_in_dim3A_349 = vector.shape_cast %reduce_max3A_348 : vector<576xf32> to vector<576x1xf32>
    %eq3A_350 = vector.broadcast %broadcast_in_dim3A_349 : vector<576x1xf32> to vector<576x576xf32>
    %eq3A_351 = arith.cmpf oeq, %select_n3A_322, %eq3A_350 : vector<576x576xf32>
    %jit3A_352 = arith.constant 576 : i32
    %broadcast_in_dim3A_353 = vector.broadcast %jit3A_352 : i32 to vector<576x576xi32>
    %select_n3A_354 = arith.select %eq3A_351, %iota3A_13, %broadcast_in_dim3A_353 : vector<576x576xi1>, vector<576x576xi32>
    %reduce_min3A_355 = arith.constant dense<2147483647> : vector<576xi32>
    %reduce_min3A_356 = vector.multi_reduction <minsi>, %select_n3A_354, %reduce_min3A_355 [1] : vector<576x576xi32> to vector<576xi32>
    %broadcast_in_dim3A_357 = vector.shape_cast %reduce_min3A_356 : vector<576xi32> to vector<576x1xi32>
    %eq3A_358 = vector.broadcast %broadcast_in_dim3A_357 : vector<576x1xi32> to vector<576x576xi32>
    %eq3A_359 = arith.cmpi eq, %iota3A_13, %eq3A_358 : vector<576x576xi32>
    %jit3A_360 = arith.constant 0xFF800000 : f32
    %broadcast_in_dim3A_361 = vector.broadcast %jit3A_360 : f32 to vector<576x576xf32>
    %select_n3A_362 = arith.select %eq3A_359, %broadcast_in_dim3A_361, %select_n3A_322 : vector<576x576xi1>, vector<576x576xf32>
    %convert_element_type3A_363 = arith.extui %eq3A_359 : vector<576x576xi1> to vector<576x576xi32>
    %convert_element_type3A_364 = arith.sitofp %convert_element_type3A_363 : vector<576x576xi32> to vector<576x576xf32>
    %dot_general3A_365 = arith.constant dense<0.000000e+00> : vector<576x96xf32>
    %dot_general3A_366 = tpu.matmul %convert_element_type3A_364, %dot_general3A_22, %dot_general3A_365 {dimension_numbers = #tpu.dot_dimension_numbers<[1], [0], [0], [1], [0, 0, 1, 1], [], []>, transpose_lhs_hint = false} : vector<576x576xf32>, vector<576x96xf32>, vector<576x96xf32> -> vector<576x96xf32>
    %add3A_367 = arith.addf %add3A_20, %dot_general3A_366 : vector<576x96xf32>
    %gt3A_368 = arith.constant 0.000000e+00 : f32
    %gt3A_369 = vector.broadcast %gt3A_368 : f32 to vector<576x96xf32>
    %gt3A_370 = arith.cmpf ogt, %add3A_367, %gt3A_369 : vector<576x96xf32>
    %mul3A_371 = arith.constant 2.000000e-01 : f32
    %mul3A_372 = vector.broadcast %mul3A_371 : f32 to vector<576x96xf32>
    %mul3A_373 = arith.mulf %mul3A_372, %add3A_367 : vector<576x96xf32>
    %select_n3A_374 = arith.select %gt3A_370, %add3A_367, %mul3A_373 : vector<576x96xi1>, vector<576x96xf32>
    %dot_general3A_375 = arith.constant dense<0.000000e+00> : vector<576x96xf32>
    %dot_general3A_376 = tpu.matmul %select_n3A_374, %get3A_25, %dot_general3A_375 {dimension_numbers = #tpu.dot_dimension_numbers<[1], [1], [0], [0], [0, 0, 1, 0], [], []>, transpose_lhs_hint = false} : vector<576x96xf32>, vector<96x96xf32>, vector<576x96xf32> -> vector<576x96xf32>
    %add3A_377 = vector.broadcast %get3A_28 : vector<1x96xf32> to vector<576x96xf32>
    %add3A_378 = arith.addf %dot_general3A_376, %add3A_377 : vector<576x96xf32>
    %gt3A_379 = arith.constant 0.000000e+00 : f32
    %gt3A_380 = vector.broadcast %gt3A_379 : f32 to vector<576x96xf32>
    %gt3A_381 = arith.cmpf ogt, %add3A_378, %gt3A_380 : vector<576x96xf32>
    %mul3A_382 = arith.constant 2.000000e-01 : f32
    %mul3A_383 = vector.broadcast %mul3A_382 : f32 to vector<576x96xf32>
    %mul3A_384 = arith.mulf %mul3A_383, %add3A_378 : vector<576x96xf32>
    %select_n3A_385 = arith.select %gt3A_381, %add3A_378, %mul3A_384 : vector<576x96xi1>, vector<576x96xf32>
    %add3A_386 = arith.addf %add3A_346, %select_n3A_385 : vector<576x96xf32>
    %reduce_max3A_387 = arith.constant dense<0xFF800000> : vector<576xf32>
    %reduce_max3A_388 = vector.multi_reduction <maximumf>, %select_n3A_362, %reduce_max3A_387 [1] : vector<576x576xf32> to vector<576xf32>
    %broadcast_in_dim3A_389 = vector.shape_cast %reduce_max3A_388 : vector<576xf32> to vector<576x1xf32>
    %eq3A_390 = vector.broadcast %broadcast_in_dim3A_389 : vector<576x1xf32> to vector<576x576xf32>
    %eq3A_391 = arith.cmpf oeq, %select_n3A_362, %eq3A_390 : vector<576x576xf32>
    %jit3A_392 = arith.constant 576 : i32
    %broadcast_in_dim3A_393 = vector.broadcast %jit3A_392 : i32 to vector<576x576xi32>
    %select_n3A_394 = arith.select %eq3A_391, %iota3A_13, %broadcast_in_dim3A_393 : vector<576x576xi1>, vector<576x576xi32>
    %reduce_min3A_395 = arith.constant dense<2147483647> : vector<576xi32>
    %reduce_min3A_396 = vector.multi_reduction <minsi>, %select_n3A_394, %reduce_min3A_395 [1] : vector<576x576xi32> to vector<576xi32>
    %broadcast_in_dim3A_397 = vector.shape_cast %reduce_min3A_396 : vector<576xi32> to vector<576x1xi32>
    %eq3A_398 = vector.broadcast %broadcast_in_dim3A_397 : vector<576x1xi32> to vector<576x576xi32>
    %eq3A_399 = arith.cmpi eq, %iota3A_13, %eq3A_398 : vector<576x576xi32>
    %jit3A_400 = arith.constant 0xFF800000 : f32
    %broadcast_in_dim3A_401 = vector.broadcast %jit3A_400 : f32 to vector<576x576xf32>
    %select_n3A_402 = arith.select %eq3A_399, %broadcast_in_dim3A_401, %select_n3A_362 : vector<576x576xi1>, vector<576x576xf32>
    %convert_element_type3A_403 = arith.extui %eq3A_399 : vector<576x576xi1> to vector<576x576xi32>
    %convert_element_type3A_404 = arith.sitofp %convert_element_type3A_403 : vector<576x576xi32> to vector<576x576xf32>
    %dot_general3A_405 = arith.constant dense<0.000000e+00> : vector<576x96xf32>
    %dot_general3A_406 = tpu.matmul %convert_element_type3A_404, %dot_general3A_22, %dot_general3A_405 {dimension_numbers = #tpu.dot_dimension_numbers<[1], [0], [0], [1], [0, 0, 1, 1], [], []>, transpose_lhs_hint = false} : vector<576x576xf32>, vector<576x96xf32>, vector<576x96xf32> -> vector<576x96xf32>
    %add3A_407 = arith.addf %add3A_20, %dot_general3A_406 : vector<576x96xf32>
    %gt3A_408 = arith.constant 0.000000e+00 : f32
    %gt3A_409 = vector.broadcast %gt3A_408 : f32 to vector<576x96xf32>
    %gt3A_410 = arith.cmpf ogt, %add3A_407, %gt3A_409 : vector<576x96xf32>
    %mul3A_411 = arith.constant 2.000000e-01 : f32
    %mul3A_412 = vector.broadcast %mul3A_411 : f32 to vector<576x96xf32>
    %mul3A_413 = arith.mulf %mul3A_412, %add3A_407 : vector<576x96xf32>
    %select_n3A_414 = arith.select %gt3A_410, %add3A_407, %mul3A_413 : vector<576x96xi1>, vector<576x96xf32>
    %dot_general3A_415 = arith.constant dense<0.000000e+00> : vector<576x96xf32>
    %dot_general3A_416 = tpu.matmul %select_n3A_414, %get3A_25, %dot_general3A_415 {dimension_numbers = #tpu.dot_dimension_numbers<[1], [1], [0], [0], [0, 0, 1, 0], [], []>, transpose_lhs_hint = false} : vector<576x96xf32>, vector<96x96xf32>, vector<576x96xf32> -> vector<576x96xf32>
    %add3A_417 = vector.broadcast %get3A_28 : vector<1x96xf32> to vector<576x96xf32>
    %add3A_418 = arith.addf %dot_general3A_416, %add3A_417 : vector<576x96xf32>
    %gt3A_419 = arith.constant 0.000000e+00 : f32
    %gt3A_420 = vector.broadcast %gt3A_419 : f32 to vector<576x96xf32>
    %gt3A_421 = arith.cmpf ogt, %add3A_418, %gt3A_420 : vector<576x96xf32>
    %mul3A_422 = arith.constant 2.000000e-01 : f32
    %mul3A_423 = vector.broadcast %mul3A_422 : f32 to vector<576x96xf32>
    %mul3A_424 = arith.mulf %mul3A_423, %add3A_418 : vector<576x96xf32>
    %select_n3A_425 = arith.select %gt3A_421, %add3A_418, %mul3A_424 : vector<576x96xi1>, vector<576x96xf32>
    %add3A_426 = arith.addf %add3A_386, %select_n3A_425 : vector<576x96xf32>
    %reduce_max3A_427 = arith.constant dense<0xFF800000> : vector<576xf32>
    %reduce_max3A_428 = vector.multi_reduction <maximumf>, %select_n3A_402, %reduce_max3A_427 [1] : vector<576x576xf32> to vector<576xf32>
    %broadcast_in_dim3A_429 = vector.shape_cast %reduce_max3A_428 : vector<576xf32> to vector<576x1xf32>
    %eq3A_430 = vector.broadcast %broadcast_in_dim3A_429 : vector<576x1xf32> to vector<576x576xf32>
    %eq3A_431 = arith.cmpf oeq, %select_n3A_402, %eq3A_430 : vector<576x576xf32>
    %jit3A_432 = arith.constant 576 : i32
    %broadcast_in_dim3A_433 = vector.broadcast %jit3A_432 : i32 to vector<576x576xi32>
    %select_n3A_434 = arith.select %eq3A_431, %iota3A_13, %broadcast_in_dim3A_433 : vector<576x576xi1>, vector<576x576xi32>
    %reduce_min3A_435 = arith.constant dense<2147483647> : vector<576xi32>
    %reduce_min3A_436 = vector.multi_reduction <minsi>, %select_n3A_434, %reduce_min3A_435 [1] : vector<576x576xi32> to vector<576xi32>
    %broadcast_in_dim3A_437 = vector.shape_cast %reduce_min3A_436 : vector<576xi32> to vector<576x1xi32>
    %eq3A_438 = vector.broadcast %broadcast_in_dim3A_437 : vector<576x1xi32> to vector<576x576xi32>
    %eq3A_439 = arith.cmpi eq, %iota3A_13, %eq3A_438 : vector<576x576xi32>
    %jit3A_440 = arith.constant 0xFF800000 : f32
    %broadcast_in_dim3A_441 = vector.broadcast %jit3A_440 : f32 to vector<576x576xf32>
    %select_n3A_442 = arith.select %eq3A_439, %broadcast_in_dim3A_441, %select_n3A_402 : vector<576x576xi1>, vector<576x576xf32>
    %convert_element_type3A_443 = arith.extui %eq3A_439 : vector<576x576xi1> to vector<576x576xi32>
    %convert_element_type3A_444 = arith.sitofp %convert_element_type3A_443 : vector<576x576xi32> to vector<576x576xf32>
    %dot_general3A_445 = arith.constant dense<0.000000e+00> : vector<576x96xf32>
    %dot_general3A_446 = tpu.matmul %convert_element_type3A_444, %dot_general3A_22, %dot_general3A_445 {dimension_numbers = #tpu.dot_dimension_numbers<[1], [0], [0], [1], [0, 0, 1, 1], [], []>, transpose_lhs_hint = false} : vector<576x576xf32>, vector<576x96xf32>, vector<576x96xf32> -> vector<576x96xf32>
    %add3A_447 = arith.addf %add3A_20, %dot_general3A_446 : vector<576x96xf32>
    %gt3A_448 = arith.constant 0.000000e+00 : f32
    %gt3A_449 = vector.broadcast %gt3A_448 : f32 to vector<576x96xf32>
    %gt3A_450 = arith.cmpf ogt, %add3A_447, %gt3A_449 : vector<576x96xf32>
    %mul3A_451 = arith.constant 2.000000e-01 : f32
    %mul3A_452 = vector.broadcast %mul3A_451 : f32 to vector<576x96xf32>
    %mul3A_453 = arith.mulf %mul3A_452, %add3A_447 : vector<576x96xf32>
    %select_n3A_454 = arith.select %gt3A_450, %add3A_447, %mul3A_453 : vector<576x96xi1>, vector<576x96xf32>
    %dot_general3A_455 = arith.constant dense<0.000000e+00> : vector<576x96xf32>
    %dot_general3A_456 = tpu.matmul %select_n3A_454, %get3A_25, %dot_general3A_455 {dimension_numbers = #tpu.dot_dimension_numbers<[1], [1], [0], [0], [0, 0, 1, 0], [], []>, transpose_lhs_hint = false} : vector<576x96xf32>, vector<96x96xf32>, vector<576x96xf32> -> vector<576x96xf32>
    %add3A_457 = vector.broadcast %get3A_28 : vector<1x96xf32> to vector<576x96xf32>
    %add3A_458 = arith.addf %dot_general3A_456, %add3A_457 : vector<576x96xf32>
    %gt3A_459 = arith.constant 0.000000e+00 : f32
    %gt3A_460 = vector.broadcast %gt3A_459 : f32 to vector<576x96xf32>
    %gt3A_461 = arith.cmpf ogt, %add3A_458, %gt3A_460 : vector<576x96xf32>
    %mul3A_462 = arith.constant 2.000000e-01 : f32
    %mul3A_463 = vector.broadcast %mul3A_462 : f32 to vector<576x96xf32>
    %mul3A_464 = arith.mulf %mul3A_463, %add3A_458 : vector<576x96xf32>
    %select_n3A_465 = arith.select %gt3A_461, %add3A_458, %mul3A_464 : vector<576x96xi1>, vector<576x96xf32>
    %add3A_466 = arith.addf %add3A_426, %select_n3A_465 : vector<576x96xf32>
    %reduce_max3A_467 = arith.constant dense<0xFF800000> : vector<576xf32>
    %reduce_max3A_468 = vector.multi_reduction <maximumf>, %select_n3A_442, %reduce_max3A_467 [1] : vector<576x576xf32> to vector<576xf32>
    %broadcast_in_dim3A_469 = vector.shape_cast %reduce_max3A_468 : vector<576xf32> to vector<576x1xf32>
    %eq3A_470 = vector.broadcast %broadcast_in_dim3A_469 : vector<576x1xf32> to vector<576x576xf32>
    %eq3A_471 = arith.cmpf oeq, %select_n3A_442, %eq3A_470 : vector<576x576xf32>
    %jit3A_472 = arith.constant 576 : i32
    %broadcast_in_dim3A_473 = vector.broadcast %jit3A_472 : i32 to vector<576x576xi32>
    %select_n3A_474 = arith.select %eq3A_471, %iota3A_13, %broadcast_in_dim3A_473 : vector<576x576xi1>, vector<576x576xi32>
    %reduce_min3A_475 = arith.constant dense<2147483647> : vector<576xi32>
    %reduce_min3A_476 = vector.multi_reduction <minsi>, %select_n3A_474, %reduce_min3A_475 [1] : vector<576x576xi32> to vector<576xi32>
    %broadcast_in_dim3A_477 = vector.shape_cast %reduce_min3A_476 : vector<576xi32> to vector<576x1xi32>
    %eq3A_478 = vector.broadcast %broadcast_in_dim3A_477 : vector<576x1xi32> to vector<576x576xi32>
    %eq3A_479 = arith.cmpi eq, %iota3A_13, %eq3A_478 : vector<576x576xi32>
    %convert_element_type3A_480 = arith.extui %eq3A_479 : vector<576x576xi1> to vector<576x576xi32>
    %convert_element_type3A_481 = arith.sitofp %convert_element_type3A_480 : vector<576x576xi32> to vector<576x576xf32>
    %dot_general3A_482 = arith.constant dense<0.000000e+00> : vector<576x96xf32>
    %dot_general3A_483 = tpu.matmul %convert_element_type3A_481, %dot_general3A_22, %dot_general3A_482 {dimension_numbers = #tpu.dot_dimension_numbers<[1], [0], [0], [1], [0, 0, 1, 1], [], []>, transpose_lhs_hint = false} : vector<576x576xf32>, vector<576x96xf32>, vector<576x96xf32> -> vector<576x96xf32>
    %add3A_484 = arith.addf %add3A_20, %dot_general3A_483 : vector<576x96xf32>
    %gt3A_485 = arith.constant 0.000000e+00 : f32
    %gt3A_486 = vector.broadcast %gt3A_485 : f32 to vector<576x96xf32>
    %gt3A_487 = arith.cmpf ogt, %add3A_484, %gt3A_486 : vector<576x96xf32>
    %mul3A_488 = arith.constant 2.000000e-01 : f32
    %mul3A_489 = vector.broadcast %mul3A_488 : f32 to vector<576x96xf32>
    %mul3A_490 = arith.mulf %mul3A_489, %add3A_484 : vector<576x96xf32>
    %select_n3A_491 = arith.select %gt3A_487, %add3A_484, %mul3A_490 : vector<576x96xi1>, vector<576x96xf32>
    %dot_general3A_492 = arith.constant dense<0.000000e+00> : vector<576x96xf32>
    %dot_general3A_493 = tpu.matmul %select_n3A_491, %get3A_25, %dot_general3A_492 {dimension_numbers = #tpu.dot_dimension_numbers<[1], [1], [0], [0], [0, 0, 1, 0], [], []>, transpose_lhs_hint = false} : vector<576x96xf32>, vector<96x96xf32>, vector<576x96xf32> -> vector<576x96xf32>
    %add3A_494 = vector.broadcast %get3A_28 : vector<1x96xf32> to vector<576x96xf32>
    %add3A_495 = arith.addf %dot_general3A_493, %add3A_494 : vector<576x96xf32>
    %gt3A_496 = arith.constant 0.000000e+00 : f32
    %gt3A_497 = vector.broadcast %gt3A_496 : f32 to vector<576x96xf32>
    %gt3A_498 = arith.cmpf ogt, %add3A_495, %gt3A_497 : vector<576x96xf32>
    %mul3A_499 = arith.constant 2.000000e-01 : f32
    %mul3A_500 = vector.broadcast %mul3A_499 : f32 to vector<576x96xf32>
    %mul3A_501 = arith.mulf %mul3A_500, %add3A_495 : vector<576x96xf32>
    %select_n3A_502 = arith.select %gt3A_498, %add3A_495, %mul3A_501 : vector<576x96xi1>, vector<576x96xf32>
    %add3A_503 = arith.addf %add3A_466, %select_n3A_502 : vector<576x96xf32>
    %mul3A_504 = arith.constant 0.0833333358 : f32
    %mul3A_505 = vector.broadcast %mul3A_504 : f32 to vector<576x96xf32>
    %mul3A_506 = arith.mulf %add3A_503, %mul3A_505 : vector<576x96xf32>
    %get3A_507 = arith.constant 0 : index
    %get3A_508 = arith.constant 0 : index
    %get3A_509 = vector.load %arg6[%get3A_507, %get3A_508] : memref<1x96xf32, #tpu.memory_space<vmem>>, vector<1x96xf32>
    %get3A_510 = arith.constant 0 : index
    %get3A_511 = arith.constant 0 : index
    %get3A_512 = vector.load %arg7[%get3A_510, %get3A_511] : memref<1x96xf32, #tpu.memory_space<vmem>>, vector<1x96xf32>
    %reduce_sum3A_513 = arith.constant dense<0.000000e+00> : vector<576xf32>
    %reduce_sum3A_514 = vector.multi_reduction <add>, %mul3A_506, %reduce_sum3A_513 [1] : vector<576x96xf32> to vector<576xf32>
    %broadcast_in_dim3A_515 = vector.shape_cast %reduce_sum3A_514 : vector<576xf32> to vector<576x1xf32>
    %div3A_516 = arith.constant 9.600000e+01 : f32
    %div3A_517 = vector.broadcast %div3A_516 : f32 to vector<576x1xf32>
    %div3A_518 = arith.divf %broadcast_in_dim3A_515, %div3A_517 : vector<576x1xf32>
    %sub3A_519 = vector.broadcast %div3A_518 : vector<576x1xf32> to vector<576x96xf32>
    %sub3A_520 = arith.subf %mul3A_506, %sub3A_519 : vector<576x96xf32>
    %integer_pow3A = arith.mulf %sub3A_520, %sub3A_520 : vector<576x96xf32>
    %reduce_sum3A_521 = arith.constant dense<0.000000e+00> : vector<576xf32>
    %reduce_sum3A_522 = vector.multi_reduction <add>, %integer_pow3A, %reduce_sum3A_521 [1] : vector<576x96xf32> to vector<576xf32>
    %broadcast_in_dim3A_523 = vector.shape_cast %reduce_sum3A_522 : vector<576xf32> to vector<576x1xf32>
    %div3A_524 = arith.constant 9.600000e+01 : f32
    %div3A_525 = vector.broadcast %div3A_524 : f32 to vector<576x1xf32>
    %div3A_526 = arith.divf %broadcast_in_dim3A_523, %div3A_525 : vector<576x1xf32>
    %sub3A_527 = vector.broadcast %div3A_518 : vector<576x1xf32> to vector<576x96xf32>
    %sub3A_528 = arith.subf %mul3A_506, %sub3A_527 : vector<576x96xf32>
    %add3A_529 = arith.constant 9.99999974E-6 : f32
    %add3A_530 = vector.broadcast %add3A_529 : f32 to vector<576x1xf32>
    %add3A_531 = arith.addf %div3A_526, %add3A_530 : vector<576x1xf32>
    %sqrt3A_532 = math.sqrt %add3A_531 : vector<576x1xf32>
    %div3A_533 = vector.broadcast %sqrt3A_532 : vector<576x1xf32> to vector<576x96xf32>
    %div3A_534 = arith.divf %sub3A_528, %div3A_533 : vector<576x96xf32>
    %mul3A_535 = vector.broadcast %get3A_509 : vector<1x96xf32> to vector<576x96xf32>
    %mul3A_536 = arith.mulf %div3A_534, %mul3A_535 : vector<576x96xf32>
    %add3A_537 = vector.broadcast %get3A_512 : vector<1x96xf32> to vector<576x96xf32>
    %add3A_538 = arith.addf %mul3A_536, %add3A_537 : vector<576x96xf32>
    %broadcast_in_dim3A_539 = arith.constant 1.000000e+00 : f32
    %broadcast_in_dim3A_540 = vector.broadcast %broadcast_in_dim3A_539 : f32 to vector<1x96xf32>
    %get3A_541 = arith.constant 0 : index
    %get3A_542 = arith.constant 0 : index
    %get3A_543 = vector.load %arg8[%get3A_541, %get3A_542] : memref<1x96xf32, #tpu.memory_space<vmem>>, vector<1x96xf32>
    %dot_general3A_544 = arith.constant dense<0.000000e+00> : vector<96x96xf32>
    %dot_general3A_545 = tpu.matmul %get3A_543, %broadcast_in_dim3A_540, %dot_general3A_544 {dimension_numbers = #tpu.dot_dimension_numbers<[0], [0], [1], [1], [0, 1, 1, 1], [], []>, transpose_lhs_hint = false} : vector<1x96xf32>, vector<1x96xf32>, vector<96x96xf32> -> vector<96x96xf32>
    %dot_general3A_546 = arith.constant dense<0.000000e+00> : vector<576x96xf32>
    %dot_general3A_547 = tpu.matmul %add3A_538, %dot_general3A_545, %dot_general3A_546 {dimension_numbers = #tpu.dot_dimension_numbers<[1], [0], [0], [1], [0, 0, 1, 1], [], []>, transpose_lhs_hint = false} : vector<576x96xf32>, vector<96x96xf32>, vector<576x96xf32> -> vector<576x96xf32>
    %get3A_548 = arith.constant 0 : index
    %get3A_549 = arith.constant 0 : index
    %get3A_550 = vector.load %arg9[%get3A_548, %get3A_549] : memref<1x96xf32, #tpu.memory_space<vmem>>, vector<1x96xf32>
    %add3A_551 = vector.broadcast %get3A_550 : vector<1x96xf32> to vector<576x96xf32>
    %add3A_552 = arith.addf %dot_general3A_547, %add3A_551 : vector<576x96xf32>
    %mul3A_553 = arith.constant 5.000000e-01 : f32
    %mul3A_554 = vector.broadcast %mul3A_553 : f32 to vector<576x96xf32>
    %mul3A_555 = arith.mulf %mul3A_554, %add3A_552 : vector<576x96xf32>
    %mul3A_556 = arith.constant 0.707106769 : f32
    %mul3A_557 = vector.broadcast %mul3A_556 : f32 to vector<576x96xf32>
    %mul3A_558 = arith.mulf %add3A_552, %mul3A_557 : vector<576x96xf32>
    %sign3A = tpu.bitcast %mul3A_558 : vector<576x96xf32> -> vector<576x96xi32>
    %sign3A_559 = arith.constant -2147483648 : i32
    %sign3A_560 = vector.broadcast %sign3A_559 : i32 to vector<576x96xi32>
    %sign3A_561 = arith.andi %sign3A, %sign3A_560 : vector<576x96xi32>
    %sign3A_562 = arith.constant 1065353216 : i32
    %sign3A_563 = vector.broadcast %sign3A_562 : i32 to vector<576x96xi32>
    %sign3A_564 = arith.ori %sign3A_563, %sign3A_561 : vector<576x96xi32>
    %sign3A_565 = tpu.bitcast %sign3A_564 : vector<576x96xi32> -> vector<576x96xf32>
    %sign3A_566 = math.absf %mul3A_558 : vector<576x96xf32>
    %sign3A_567 = arith.constant 0.000000e+00 : f32
    %sign3A_568 = vector.broadcast %sign3A_567 : f32 to vector<576x96xf32>
    %sign3A_569 = arith.cmpf ogt, %sign3A_566, %sign3A_568 : vector<576x96xf32>
    %sign3A_570 = arith.select %sign3A_569, %sign3A_565, %mul3A_558 : vector<576x96xi1>, vector<576x96xf32>
    %abs3A = math.absf %mul3A_558 : vector<576x96xf32>
    %mul3A_571 = arith.constant 0.327591091 : f32
    %mul3A_572 = vector.broadcast %mul3A_571 : f32 to vector<576x96xf32>
    %mul3A_573 = arith.mulf %mul3A_572, %abs3A : vector<576x96xf32>
    %add3A_574 = arith.constant 1.000000e+00 : f32
    %add3A_575 = vector.broadcast %add3A_574 : f32 to vector<576x96xf32>
    %add3A_576 = arith.addf %add3A_575, %mul3A_573 : vector<576x96xf32>
    %div3A_577 = arith.constant 1.000000e+00 : f32
    %div3A_578 = vector.broadcast %div3A_577 : f32 to vector<576x96xf32>
    %div3A_579 = arith.divf %div3A_578, %add3A_576 : vector<576x96xf32>
    %mul3A_580 = arith.constant 1.06140542 : f32
    %mul3A_581 = vector.broadcast %mul3A_580 : f32 to vector<576x96xf32>
    %mul3A_582 = arith.mulf %div3A_579, %mul3A_581 : vector<576x96xf32>
    %add3A_583 = arith.constant -1.45315206 : f32
    %add3A_584 = vector.broadcast %add3A_583 : f32 to vector<576x96xf32>
    %add3A_585 = arith.addf %add3A_584, %mul3A_582 : vector<576x96xf32>
    %mul3A_586 = arith.mulf %div3A_579, %add3A_585 : vector<576x96xf32>
    %add3A_587 = arith.constant 1.42141378 : f32
    %add3A_588 = vector.broadcast %add3A_587 : f32 to vector<576x96xf32>
    %add3A_589 = arith.addf %add3A_588, %mul3A_586 : vector<576x96xf32>
    %mul3A_590 = arith.mulf %div3A_579, %add3A_589 : vector<576x96xf32>
    %add3A_591 = arith.constant -0.284496725 : f32
    %add3A_592 = vector.broadcast %add3A_591 : f32 to vector<576x96xf32>
    %add3A_593 = arith.addf %add3A_592, %mul3A_590 : vector<576x96xf32>
    %mul3A_594 = arith.mulf %div3A_579, %add3A_593 : vector<576x96xf32>
    %add3A_595 = arith.constant 0.254829586 : f32
    %add3A_596 = vector.broadcast %add3A_595 : f32 to vector<576x96xf32>
    %add3A_597 = arith.addf %add3A_596, %mul3A_594 : vector<576x96xf32>
    %mul3A_598 = arith.mulf %div3A_579, %add3A_597 : vector<576x96xf32>
    %neg3A = arith.constant 0.000000e+00 : f32
    %neg3A_599 = vector.broadcast %neg3A : f32 to vector<576x96xf32>
    %neg3A_600 = arith.subf %neg3A_599, %abs3A : vector<576x96xf32>
    %mul3A_601 = arith.mulf %neg3A_600, %abs3A : vector<576x96xf32>
    %exp3A = math.exp %mul3A_601 : vector<576x96xf32>
    %mul3A_602 = arith.mulf %mul3A_598, %exp3A : vector<576x96xf32>
    %sub3A_603 = arith.constant 1.000000e+00 : f32
    %sub3A_604 = vector.broadcast %sub3A_603 : f32 to vector<576x96xf32>
    %sub3A_605 = arith.subf %sub3A_604, %mul3A_602 : vector<576x96xf32>
    %mul3A_606 = arith.mulf %sign3A_570, %sub3A_605 : vector<576x96xf32>
    %add3A_607 = arith.constant 1.000000e+00 : f32
    %add3A_608 = vector.broadcast %add3A_607 : f32 to vector<576x96xf32>
    %add3A_609 = arith.addf %add3A_608, %mul3A_606 : vector<576x96xf32>
    %mul3A_610 = arith.mulf %mul3A_555, %add3A_609 : vector<576x96xf32>
    %reduce_sum3A_611 = arith.constant dense<0.000000e+00> : vector<96xf32>
    %reduce_sum3A_612 = vector.multi_reduction <add>, %add3A_538, %reduce_sum3A_611 [0] : vector<576x96xf32> to vector<96xf32>
    %broadcast_in_dim3A_613 = vector.shape_cast %reduce_sum3A_612 : vector<96xf32> to vector<1x96xf32>
    %div3A_614 = arith.constant 5.760000e+02 : f32
    %div3A_615 = vector.broadcast %div3A_614 : f32 to vector<1x96xf32>
    %div3A_616 = arith.divf %broadcast_in_dim3A_613, %div3A_615 : vector<1x96xf32>
    %get3A_617 = arith.constant 0 : index
    %get3A_618 = arith.constant 0 : index
    %get3A_619 = vector.load %arg10[%get3A_617, %get3A_618] : memref<96x96xf32, #tpu.memory_space<vmem>>, vector<96x96xf32>
    %dot_general3A_620 = arith.constant dense<0.000000e+00> : vector<1x96xf32>
    %dot_general3A_621 = tpu.matmul %div3A_616, %get3A_619, %dot_general3A_620 {dimension_numbers = #tpu.dot_dimension_numbers<[1], [1], [0], [0], [0, 0, 1, 0], [], []>, transpose_lhs_hint = false} : vector<1x96xf32>, vector<96x96xf32>, vector<1x96xf32> -> vector<1x96xf32>
    %get3A_622 = arith.constant 0 : index
    %get3A_623 = arith.constant 0 : index
    %get3A_624 = vector.load %arg11[%get3A_622, %get3A_623] : memref<1x96xf32, #tpu.memory_space<vmem>>, vector<1x96xf32>
    %add3A_625 = arith.addf %dot_general3A_621, %get3A_624 : vector<1x96xf32>
    %mul3A_626 = arith.constant 5.000000e-01 : f32
    %mul3A_627 = vector.broadcast %mul3A_626 : f32 to vector<1x96xf32>
    %mul3A_628 = arith.mulf %mul3A_627, %add3A_625 : vector<1x96xf32>
    %mul3A_629 = arith.constant 0.707106769 : f32
    %mul3A_630 = vector.broadcast %mul3A_629 : f32 to vector<1x96xf32>
    %mul3A_631 = arith.mulf %add3A_625, %mul3A_630 : vector<1x96xf32>
    %sign3A_632 = tpu.bitcast %mul3A_631 : vector<1x96xf32> -> vector<1x96xi32>
    %sign3A_633 = arith.constant -2147483648 : i32
    %sign3A_634 = vector.broadcast %sign3A_633 : i32 to vector<1x96xi32>
    %sign3A_635 = arith.andi %sign3A_632, %sign3A_634 : vector<1x96xi32>
    %sign3A_636 = arith.constant 1065353216 : i32
    %sign3A_637 = vector.broadcast %sign3A_636 : i32 to vector<1x96xi32>
    %sign3A_638 = arith.ori %sign3A_637, %sign3A_635 : vector<1x96xi32>
    %sign3A_639 = tpu.bitcast %sign3A_638 : vector<1x96xi32> -> vector<1x96xf32>
    %sign3A_640 = math.absf %mul3A_631 : vector<1x96xf32>
    %sign3A_641 = arith.constant 0.000000e+00 : f32
    %sign3A_642 = vector.broadcast %sign3A_641 : f32 to vector<1x96xf32>
    %sign3A_643 = arith.cmpf ogt, %sign3A_640, %sign3A_642 : vector<1x96xf32>
    %sign3A_644 = arith.select %sign3A_643, %sign3A_639, %mul3A_631 : vector<1x96xi1>, vector<1x96xf32>
    %abs3A_645 = math.absf %mul3A_631 : vector<1x96xf32>
    %mul3A_646 = arith.constant 0.327591091 : f32
    %mul3A_647 = vector.broadcast %mul3A_646 : f32 to vector<1x96xf32>
    %mul3A_648 = arith.mulf %mul3A_647, %abs3A_645 : vector<1x96xf32>
    %add3A_649 = arith.constant 1.000000e+00 : f32
    %add3A_650 = vector.broadcast %add3A_649 : f32 to vector<1x96xf32>
    %add3A_651 = arith.addf %add3A_650, %mul3A_648 : vector<1x96xf32>
    %div3A_652 = arith.constant 1.000000e+00 : f32
    %div3A_653 = vector.broadcast %div3A_652 : f32 to vector<1x96xf32>
    %div3A_654 = arith.divf %div3A_653, %add3A_651 : vector<1x96xf32>
    %mul3A_655 = arith.constant 1.06140542 : f32
    %mul3A_656 = vector.broadcast %mul3A_655 : f32 to vector<1x96xf32>
    %mul3A_657 = arith.mulf %div3A_654, %mul3A_656 : vector<1x96xf32>
    %add3A_658 = arith.constant -1.45315206 : f32
    %add3A_659 = vector.broadcast %add3A_658 : f32 to vector<1x96xf32>
    %add3A_660 = arith.addf %add3A_659, %mul3A_657 : vector<1x96xf32>
    %mul3A_661 = arith.mulf %div3A_654, %add3A_660 : vector<1x96xf32>
    %add3A_662 = arith.constant 1.42141378 : f32
    %add3A_663 = vector.broadcast %add3A_662 : f32 to vector<1x96xf32>
    %add3A_664 = arith.addf %add3A_663, %mul3A_661 : vector<1x96xf32>
    %mul3A_665 = arith.mulf %div3A_654, %add3A_664 : vector<1x96xf32>
    %add3A_666 = arith.constant -0.284496725 : f32
    %add3A_667 = vector.broadcast %add3A_666 : f32 to vector<1x96xf32>
    %add3A_668 = arith.addf %add3A_667, %mul3A_665 : vector<1x96xf32>
    %mul3A_669 = arith.mulf %div3A_654, %add3A_668 : vector<1x96xf32>
    %add3A_670 = arith.constant 0.254829586 : f32
    %add3A_671 = vector.broadcast %add3A_670 : f32 to vector<1x96xf32>
    %add3A_672 = arith.addf %add3A_671, %mul3A_669 : vector<1x96xf32>
    %mul3A_673 = arith.mulf %div3A_654, %add3A_672 : vector<1x96xf32>
    %neg3A_674 = arith.constant 0.000000e+00 : f32
    %neg3A_675 = vector.broadcast %neg3A_674 : f32 to vector<1x96xf32>
    %neg3A_676 = arith.subf %neg3A_675, %abs3A_645 : vector<1x96xf32>
    %mul3A_677 = arith.mulf %neg3A_676, %abs3A_645 : vector<1x96xf32>
    %exp3A_678 = math.exp %mul3A_677 : vector<1x96xf32>
    %mul3A_679 = arith.mulf %mul3A_673, %exp3A_678 : vector<1x96xf32>
    %sub3A_680 = arith.constant 1.000000e+00 : f32
    %sub3A_681 = vector.broadcast %sub3A_680 : f32 to vector<1x96xf32>
    %sub3A_682 = arith.subf %sub3A_681, %mul3A_679 : vector<1x96xf32>
    %mul3A_683 = arith.mulf %sign3A_644, %sub3A_682 : vector<1x96xf32>
    %add3A_684 = arith.constant 1.000000e+00 : f32
    %add3A_685 = vector.broadcast %add3A_684 : f32 to vector<1x96xf32>
    %add3A_686 = arith.addf %add3A_685, %mul3A_683 : vector<1x96xf32>
    %mul3A_687 = arith.mulf %mul3A_628, %add3A_686 : vector<1x96xf32>
    %get3A_688 = arith.constant 0 : index
    %get3A_689 = arith.constant 0 : index
    %get3A_690 = vector.load %arg12[%get3A_688, %get3A_689] : memref<1x96xf32, #tpu.memory_space<vmem>>, vector<1x96xf32>
    %add3A_691 = vector.broadcast %mul3A_687 : vector<1x96xf32> to vector<576x96xf32>
    %add3A_692 = arith.addf %mul3A_610, %add3A_691 : vector<576x96xf32>
    %mul3A_693 = vector.broadcast %get3A_690 : vector<1x96xf32> to vector<576x96xf32>
    %mul3A_694 = arith.mulf %mul3A_693, %add3A_692 : vector<576x96xf32>
    %get3A_695 = arith.constant 0 : index
    %get3A_696 = arith.constant 0 : index
    %get3A_697 = vector.load %arg13[%get3A_695, %get3A_696] : memref<1x96xf32, #tpu.memory_space<vmem>>, vector<1x96xf32>
    %get3A_698 = arith.constant 0 : index
    %get3A_699 = arith.constant 0 : index
    %get3A_700 = vector.load %arg14[%get3A_698, %get3A_699] : memref<1x96xf32, #tpu.memory_space<vmem>>, vector<1x96xf32>
    %reduce_sum3A_701 = arith.constant dense<0.000000e+00> : vector<576xf32>
    %reduce_sum3A_702 = vector.multi_reduction <add>, %mul3A_694, %reduce_sum3A_701 [1] : vector<576x96xf32> to vector<576xf32>
    %broadcast_in_dim3A_703 = vector.shape_cast %reduce_sum3A_702 : vector<576xf32> to vector<576x1xf32>
    %div3A_704 = arith.constant 9.600000e+01 : f32
    %div3A_705 = vector.broadcast %div3A_704 : f32 to vector<576x1xf32>
    %div3A_706 = arith.divf %broadcast_in_dim3A_703, %div3A_705 : vector<576x1xf32>
    %sub3A_707 = vector.broadcast %div3A_706 : vector<576x1xf32> to vector<576x96xf32>
    %sub3A_708 = arith.subf %mul3A_694, %sub3A_707 : vector<576x96xf32>
    %integer_pow3A_709 = arith.mulf %sub3A_708, %sub3A_708 : vector<576x96xf32>
    %reduce_sum3A_710 = arith.constant dense<0.000000e+00> : vector<576xf32>
    %reduce_sum3A_711 = vector.multi_reduction <add>, %integer_pow3A_709, %reduce_sum3A_710 [1] : vector<576x96xf32> to vector<576xf32>
    %broadcast_in_dim3A_712 = vector.shape_cast %reduce_sum3A_711 : vector<576xf32> to vector<576x1xf32>
    %div3A_713 = arith.constant 9.600000e+01 : f32
    %div3A_714 = vector.broadcast %div3A_713 : f32 to vector<576x1xf32>
    %div3A_715 = arith.divf %broadcast_in_dim3A_712, %div3A_714 : vector<576x1xf32>
    %sub3A_716 = vector.broadcast %div3A_706 : vector<576x1xf32> to vector<576x96xf32>
    %sub3A_717 = arith.subf %mul3A_694, %sub3A_716 : vector<576x96xf32>
    %add3A_718 = arith.constant 9.99999974E-6 : f32
    %add3A_719 = vector.broadcast %add3A_718 : f32 to vector<576x1xf32>
    %add3A_720 = arith.addf %div3A_715, %add3A_719 : vector<576x1xf32>
    %sqrt3A_721 = math.sqrt %add3A_720 : vector<576x1xf32>
    %div3A_722 = vector.broadcast %sqrt3A_721 : vector<576x1xf32> to vector<576x96xf32>
    %div3A_723 = arith.divf %sub3A_717, %div3A_722 : vector<576x96xf32>
    %mul3A_724 = vector.broadcast %get3A_697 : vector<1x96xf32> to vector<576x96xf32>
    %mul3A_725 = arith.mulf %div3A_723, %mul3A_724 : vector<576x96xf32>
    %add3A_726 = vector.broadcast %get3A_700 : vector<1x96xf32> to vector<576x96xf32>
    %add3A_727 = arith.addf %mul3A_725, %add3A_726 : vector<576x96xf32>
    %get3A_728 = arith.constant 0 : index
    %get3A_729 = arith.constant 0 : index
    %get3A_730 = vector.load %arg15[%get3A_728, %get3A_729] : memref<96x96xf32, #tpu.memory_space<vmem>>, vector<96x96xf32>
    %dot_general3A_731 = arith.constant dense<0.000000e+00> : vector<576x96xf32>
    %dot_general3A_732 = tpu.matmul %add3A_727, %get3A_730, %dot_general3A_731 {dimension_numbers = #tpu.dot_dimension_numbers<[1], [1], [0], [0], [0, 0, 1, 0], [], []>, transpose_lhs_hint = false} : vector<576x96xf32>, vector<96x96xf32>, vector<576x96xf32> -> vector<576x96xf32>
    %get3A_733 = arith.constant 0 : index
    %get3A_734 = arith.constant 0 : index
    %get3A_735 = vector.load %arg16[%get3A_733, %get3A_734] : memref<1x96xf32, #tpu.memory_space<vmem>>, vector<1x96xf32>
    %add3A_736 = vector.broadcast %get3A_735 : vector<1x96xf32> to vector<576x96xf32>
    %add3A_737 = arith.addf %dot_general3A_732, %add3A_736 : vector<576x96xf32>
    %mul3A_738 = arith.mulf %add3A_737, %add3A_737 : vector<576x96xf32>
    %reduce_sum3A_739 = arith.constant dense<0.000000e+00> : vector<576xf32>
    %reduce_sum3A_740 = vector.multi_reduction <add>, %mul3A_738, %reduce_sum3A_739 [1] : vector<576x96xf32> to vector<576xf32>
    %broadcast_in_dim3A_741 = vector.shape_cast %reduce_sum3A_740 : vector<576xf32> to vector<576x1xf32>
    %sqrt3A_742 = math.sqrt %broadcast_in_dim3A_741 : vector<576x1xf32>
    %max3A_743 = arith.constant 9.99999996E-13 : f32
    %max3A_744 = vector.broadcast %max3A_743 : f32 to vector<576x1xf32>
    %max3A_745 = arith.maximumf %sqrt3A_742, %max3A_744 : vector<576x1xf32>
    %div3A_746 = vector.broadcast %max3A_745 : vector<576x1xf32> to vector<576x96xf32>
    %div3A_747 = arith.divf %add3A_737, %div3A_746 : vector<576x96xf32>
    %slice3A_748 = vector.extract_strided_slice %add3A_737 {offsets = [0, 0], sizes = [1, 96], strides = [1, 1]} : vector<576x96xf32> to vector<1x96xf32>
    %slice3A_749 = vector.extract_strided_slice %add3A_737 {offsets = [82, 0], sizes = [1, 96], strides = [1, 1]} : vector<576x96xf32> to vector<1x96xf32>
    %slice3A_750 = vector.extract_strided_slice %add3A_737 {offsets = [164, 0], sizes = [1, 96], strides = [1, 1]} : vector<576x96xf32> to vector<1x96xf32>
    %slice3A_751 = vector.extract_strided_slice %add3A_737 {offsets = [246, 0], sizes = [1, 96], strides = [1, 1]} : vector<576x96xf32> to vector<1x96xf32>
    %slice3A_752 = vector.extract_strided_slice %add3A_737 {offsets = [328, 0], sizes = [1, 96], strides = [1, 1]} : vector<576x96xf32> to vector<1x96xf32>
    %slice3A_753 = vector.extract_strided_slice %add3A_737 {offsets = [410, 0], sizes = [1, 96], strides = [1, 1]} : vector<576x96xf32> to vector<1x96xf32>
    %slice3A_754 = vector.extract_strided_slice %add3A_737 {offsets = [492, 0], sizes = [1, 96], strides = [1, 1]} : vector<576x96xf32> to vector<1x96xf32>
    %slice3A_755 = vector.extract_strided_slice %add3A_737 {offsets = [575, 0], sizes = [1, 96], strides = [1, 1]} : vector<576x96xf32> to vector<1x96xf32>
    %concatenate3A = tpu.concatenate %slice3A_748, %slice3A_749, %slice3A_750, %slice3A_751, %slice3A_752, %slice3A_753, %slice3A_754, %slice3A_755 in 0 : vector<1x96xf32>, vector<1x96xf32>, vector<1x96xf32>, vector<1x96xf32>, vector<1x96xf32>, vector<1x96xf32>, vector<1x96xf32>, vector<1x96xf32> -> vector<8x96xf32>
    %iota3A_756 = tpu.iota {dimensions = array<i32: 1>} : vector<576x8xi32>
    %broadcast_in_dim3A_757 = arith.constant 1.000000e+00 : f32
    %broadcast_in_dim3A_758 = vector.broadcast %broadcast_in_dim3A_757 : f32 to vector<576x1xf32>
    %mul3A_759 = arith.mulf %concatenate3A, %concatenate3A : vector<8x96xf32>
    %reduce_sum3A_760 = arith.constant dense<0.000000e+00> : vector<8xf32>
    %reduce_sum3A_761 = vector.multi_reduction <add>, %mul3A_759, %reduce_sum3A_760 [1] : vector<8x96xf32> to vector<8xf32>
    %broadcast_in_dim3A_762 = vector.shape_cast %reduce_sum3A_761 : vector<8xf32> to vector<8x1xf32>
    %sqrt3A_763 = math.sqrt %broadcast_in_dim3A_762 : vector<8x1xf32>
    %max3A_764 = arith.constant 9.99999996E-13 : f32
    %max3A_765 = vector.broadcast %max3A_764 : f32 to vector<8x1xf32>
    %max3A_766 = arith.maximumf %sqrt3A_763, %max3A_765 : vector<8x1xf32>
    %div3A_767 = vector.broadcast %max3A_766 : vector<8x1xf32> to vector<8x96xf32>
    %div3A_768 = arith.divf %concatenate3A, %div3A_767 : vector<8x96xf32>
    %dot_general3A_769 = arith.constant dense<0.000000e+00> : vector<576x8xf32>
    %dot_general3A_770 = tpu.matmul %div3A_747, %div3A_768, %dot_general3A_769 {dimension_numbers = #tpu.dot_dimension_numbers<[1], [1], [0], [0], [0, 0, 1, 0], [], []>, precision = #tpu.contract_precision<fp32>, transpose_lhs_hint = false} : vector<576x96xf32>, vector<8x96xf32>, vector<576x8xf32> -> vector<576x8xf32>
    %reduce_max3A_771 = arith.constant dense<0xFF800000> : vector<576xf32>
    %reduce_max3A_772 = vector.multi_reduction <maximumf>, %dot_general3A_770, %reduce_max3A_771 [1] : vector<576x8xf32> to vector<576xf32>
    %broadcast_in_dim3A_773 = vector.shape_cast %reduce_max3A_772 : vector<576xf32> to vector<576x1xf32>
    %eq3A_774 = vector.broadcast %broadcast_in_dim3A_773 : vector<576x1xf32> to vector<576x8xf32>
    %eq3A_775 = arith.cmpf oeq, %dot_general3A_770, %eq3A_774 : vector<576x8xf32>
    %jit3A_776 = arith.constant 8 : i32
    %broadcast_in_dim3A_777 = vector.broadcast %jit3A_776 : i32 to vector<576x8xi32>
    %select_n3A_778 = arith.select %eq3A_775, %iota3A_756, %broadcast_in_dim3A_777 : vector<576x8xi1>, vector<576x8xi32>
    %reduce_min3A_779 = arith.constant dense<2147483647> : vector<576xi32>
    %reduce_min3A_780 = vector.multi_reduction <minsi>, %select_n3A_778, %reduce_min3A_779 [1] : vector<576x8xi32> to vector<576xi32>
    %broadcast_in_dim3A_781 = vector.shape_cast %reduce_min3A_780 : vector<576xi32> to vector<576x1xi32>
    %eq3A_782 = vector.broadcast %broadcast_in_dim3A_781 : vector<576x1xi32> to vector<576x8xi32>
    %eq3A_783 = arith.cmpi eq, %iota3A_756, %eq3A_782 : vector<576x8xi32>
    %convert_element_type3A_784 = arith.extui %eq3A_783 : vector<576x8xi1> to vector<576x8xi32>
    %convert_element_type3A_785 = arith.sitofp %convert_element_type3A_784 : vector<576x8xi32> to vector<576x8xf32>
    %dot_general3A_786 = arith.constant dense<0.000000e+00> : vector<8x1xf32>
    %dot_general3A_787 = tpu.matmul %convert_element_type3A_785, %broadcast_in_dim3A_758, %dot_general3A_786 {dimension_numbers = #tpu.dot_dimension_numbers<[0], [0], [1], [1], [0, 1, 1, 1], [], []>, transpose_lhs_hint = false} : vector<576x8xf32>, vector<576x1xf32>, vector<8x1xf32> -> vector<8x1xf32>
    %dot_general3A_788 = arith.constant dense<0.000000e+00> : vector<8x96xf32>
    %dot_general3A_789 = tpu.matmul %convert_element_type3A_785, %add3A_737, %dot_general3A_788 {dimension_numbers = #tpu.dot_dimension_numbers<[0], [0], [1], [1], [0, 1, 1, 1], [], []>, transpose_lhs_hint = false} : vector<576x8xf32>, vector<576x96xf32>, vector<8x96xf32> -> vector<8x96xf32>
    %max3A_790 = arith.constant 1.000000e+00 : f32
    %max3A_791 = vector.broadcast %max3A_790 : f32 to vector<8x1xf32>
    %max3A_792 = arith.maximumf %dot_general3A_787, %max3A_791 : vector<8x1xf32>
    %div3A_793 = vector.broadcast %max3A_792 : vector<8x1xf32> to vector<8x96xf32>
    %div3A_794 = arith.divf %dot_general3A_789, %div3A_793 : vector<8x96xf32>
    %mul3A_795 = arith.mulf %div3A_794, %div3A_794 : vector<8x96xf32>
    %reduce_sum3A_796 = arith.constant dense<0.000000e+00> : vector<8xf32>
    %reduce_sum3A_797 = vector.multi_reduction <add>, %mul3A_795, %reduce_sum3A_796 [1] : vector<8x96xf32> to vector<8xf32>
    %broadcast_in_dim3A_798 = vector.shape_cast %reduce_sum3A_797 : vector<8xf32> to vector<8x1xf32>
    %sqrt3A_799 = math.sqrt %broadcast_in_dim3A_798 : vector<8x1xf32>
    %max3A_800 = arith.constant 9.99999996E-13 : f32
    %max3A_801 = vector.broadcast %max3A_800 : f32 to vector<8x1xf32>
    %max3A_802 = arith.maximumf %sqrt3A_799, %max3A_801 : vector<8x1xf32>
    %div3A_803 = vector.broadcast %max3A_802 : vector<8x1xf32> to vector<8x96xf32>
    %div3A_804 = arith.divf %div3A_794, %div3A_803 : vector<8x96xf32>
    %dot_general3A_805 = arith.constant dense<0.000000e+00> : vector<576x8xf32>
    %dot_general3A_806 = tpu.matmul %div3A_747, %div3A_804, %dot_general3A_805 {dimension_numbers = #tpu.dot_dimension_numbers<[1], [1], [0], [0], [0, 0, 1, 0], [], []>, precision = #tpu.contract_precision<fp32>, transpose_lhs_hint = false} : vector<576x96xf32>, vector<8x96xf32>, vector<576x8xf32> -> vector<576x8xf32>
    %reduce_max3A_807 = arith.constant dense<0xFF800000> : vector<576xf32>
    %reduce_max3A_808 = vector.multi_reduction <maximumf>, %dot_general3A_806, %reduce_max3A_807 [1] : vector<576x8xf32> to vector<576xf32>
    %broadcast_in_dim3A_809 = vector.shape_cast %reduce_max3A_808 : vector<576xf32> to vector<576x1xf32>
    %eq3A_810 = vector.broadcast %broadcast_in_dim3A_809 : vector<576x1xf32> to vector<576x8xf32>
    %eq3A_811 = arith.cmpf oeq, %dot_general3A_806, %eq3A_810 : vector<576x8xf32>
    %jit3A_812 = arith.constant 8 : i32
    %broadcast_in_dim3A_813 = vector.broadcast %jit3A_812 : i32 to vector<576x8xi32>
    %select_n3A_814 = arith.select %eq3A_811, %iota3A_756, %broadcast_in_dim3A_813 : vector<576x8xi1>, vector<576x8xi32>
    %reduce_min3A_815 = arith.constant dense<2147483647> : vector<576xi32>
    %reduce_min3A_816 = vector.multi_reduction <minsi>, %select_n3A_814, %reduce_min3A_815 [1] : vector<576x8xi32> to vector<576xi32>
    %broadcast_in_dim3A_817 = vector.shape_cast %reduce_min3A_816 : vector<576xi32> to vector<576x1xi32>
    %eq3A_818 = vector.broadcast %broadcast_in_dim3A_817 : vector<576x1xi32> to vector<576x8xi32>
    %eq3A_819 = arith.cmpi eq, %iota3A_756, %eq3A_818 : vector<576x8xi32>
    %convert_element_type3A_820 = arith.extui %eq3A_819 : vector<576x8xi1> to vector<576x8xi32>
    %convert_element_type3A_821 = arith.sitofp %convert_element_type3A_820 : vector<576x8xi32> to vector<576x8xf32>
    %dot_general3A_822 = arith.constant dense<0.000000e+00> : vector<8x1xf32>
    %dot_general3A_823 = tpu.matmul %convert_element_type3A_821, %broadcast_in_dim3A_758, %dot_general3A_822 {dimension_numbers = #tpu.dot_dimension_numbers<[0], [0], [1], [1], [0, 1, 1, 1], [], []>, transpose_lhs_hint = false} : vector<576x8xf32>, vector<576x1xf32>, vector<8x1xf32> -> vector<8x1xf32>
    %dot_general3A_824 = arith.constant dense<0.000000e+00> : vector<8x96xf32>
    %dot_general3A_825 = tpu.matmul %convert_element_type3A_821, %add3A_737, %dot_general3A_824 {dimension_numbers = #tpu.dot_dimension_numbers<[0], [0], [1], [1], [0, 1, 1, 1], [], []>, transpose_lhs_hint = false} : vector<576x8xf32>, vector<576x96xf32>, vector<8x96xf32> -> vector<8x96xf32>
    %max3A_826 = arith.constant 1.000000e+00 : f32
    %max3A_827 = vector.broadcast %max3A_826 : f32 to vector<8x1xf32>
    %max3A_828 = arith.maximumf %dot_general3A_823, %max3A_827 : vector<8x1xf32>
    %div3A_829 = vector.broadcast %max3A_828 : vector<8x1xf32> to vector<8x96xf32>
    %div3A_830 = arith.divf %dot_general3A_825, %div3A_829 : vector<8x96xf32>
    %mul3A_831 = arith.mulf %div3A_830, %div3A_830 : vector<8x96xf32>
    %reduce_sum3A_832 = arith.constant dense<0.000000e+00> : vector<8xf32>
    %reduce_sum3A_833 = vector.multi_reduction <add>, %mul3A_831, %reduce_sum3A_832 [1] : vector<8x96xf32> to vector<8xf32>
    %broadcast_in_dim3A_834 = vector.shape_cast %reduce_sum3A_833 : vector<8xf32> to vector<8x1xf32>
    %sqrt3A_835 = math.sqrt %broadcast_in_dim3A_834 : vector<8x1xf32>
    %max3A_836 = arith.constant 9.99999996E-13 : f32
    %max3A_837 = vector.broadcast %max3A_836 : f32 to vector<8x1xf32>
    %max3A_838 = arith.maximumf %sqrt3A_835, %max3A_837 : vector<8x1xf32>
    %div3A_839 = vector.broadcast %max3A_838 : vector<8x1xf32> to vector<8x96xf32>
    %div3A_840 = arith.divf %div3A_830, %div3A_839 : vector<8x96xf32>
    %dot_general3A_841 = arith.constant dense<0.000000e+00> : vector<576x8xf32>
    %dot_general3A_842 = tpu.matmul %div3A_747, %div3A_840, %dot_general3A_841 {dimension_numbers = #tpu.dot_dimension_numbers<[1], [1], [0], [0], [0, 0, 1, 0], [], []>, precision = #tpu.contract_precision<fp32>, transpose_lhs_hint = false} : vector<576x96xf32>, vector<8x96xf32>, vector<576x8xf32> -> vector<576x8xf32>
    %reduce_max3A_843 = arith.constant dense<0xFF800000> : vector<576xf32>
    %reduce_max3A_844 = vector.multi_reduction <maximumf>, %dot_general3A_842, %reduce_max3A_843 [1] : vector<576x8xf32> to vector<576xf32>
    %broadcast_in_dim3A_845 = vector.shape_cast %reduce_max3A_844 : vector<576xf32> to vector<576x1xf32>
    %eq3A_846 = vector.broadcast %broadcast_in_dim3A_845 : vector<576x1xf32> to vector<576x8xf32>
    %eq3A_847 = arith.cmpf oeq, %dot_general3A_842, %eq3A_846 : vector<576x8xf32>
    %jit3A_848 = arith.constant 8 : i32
    %broadcast_in_dim3A_849 = vector.broadcast %jit3A_848 : i32 to vector<576x8xi32>
    %select_n3A_850 = arith.select %eq3A_847, %iota3A_756, %broadcast_in_dim3A_849 : vector<576x8xi1>, vector<576x8xi32>
    %reduce_min3A_851 = arith.constant dense<2147483647> : vector<576xi32>
    %reduce_min3A_852 = vector.multi_reduction <minsi>, %select_n3A_850, %reduce_min3A_851 [1] : vector<576x8xi32> to vector<576xi32>
    %broadcast_in_dim3A_853 = vector.shape_cast %reduce_min3A_852 : vector<576xi32> to vector<576x1xi32>
    %eq3A_854 = vector.broadcast %broadcast_in_dim3A_853 : vector<576x1xi32> to vector<576x8xi32>
    %eq3A_855 = arith.cmpi eq, %iota3A_756, %eq3A_854 : vector<576x8xi32>
    %convert_element_type3A_856 = arith.extui %eq3A_855 : vector<576x8xi1> to vector<576x8xi32>
    %convert_element_type3A_857 = arith.sitofp %convert_element_type3A_856 : vector<576x8xi32> to vector<576x8xf32>
    %dot_general3A_858 = arith.constant dense<0.000000e+00> : vector<8x1xf32>
    %dot_general3A_859 = tpu.matmul %convert_element_type3A_857, %broadcast_in_dim3A_758, %dot_general3A_858 {dimension_numbers = #tpu.dot_dimension_numbers<[0], [0], [1], [1], [0, 1, 1, 1], [], []>, transpose_lhs_hint = false} : vector<576x8xf32>, vector<576x1xf32>, vector<8x1xf32> -> vector<8x1xf32>
    %dot_general3A_860 = arith.constant dense<0.000000e+00> : vector<8x96xf32>
    %dot_general3A_861 = tpu.matmul %convert_element_type3A_857, %add3A_737, %dot_general3A_860 {dimension_numbers = #tpu.dot_dimension_numbers<[0], [0], [1], [1], [0, 1, 1, 1], [], []>, transpose_lhs_hint = false} : vector<576x8xf32>, vector<576x96xf32>, vector<8x96xf32> -> vector<8x96xf32>
    %max3A_862 = arith.constant 1.000000e+00 : f32
    %max3A_863 = vector.broadcast %max3A_862 : f32 to vector<8x1xf32>
    %max3A_864 = arith.maximumf %dot_general3A_859, %max3A_863 : vector<8x1xf32>
    %div3A_865 = vector.broadcast %max3A_864 : vector<8x1xf32> to vector<8x96xf32>
    %div3A_866 = arith.divf %dot_general3A_861, %div3A_865 : vector<8x96xf32>
    %mul3A_867 = arith.mulf %div3A_866, %div3A_866 : vector<8x96xf32>
    %reduce_sum3A_868 = arith.constant dense<0.000000e+00> : vector<8xf32>
    %reduce_sum3A_869 = vector.multi_reduction <add>, %mul3A_867, %reduce_sum3A_868 [1] : vector<8x96xf32> to vector<8xf32>
    %broadcast_in_dim3A_870 = vector.shape_cast %reduce_sum3A_869 : vector<8xf32> to vector<8x1xf32>
    %sqrt3A_871 = math.sqrt %broadcast_in_dim3A_870 : vector<8x1xf32>
    %max3A_872 = arith.constant 9.99999996E-13 : f32
    %max3A_873 = vector.broadcast %max3A_872 : f32 to vector<8x1xf32>
    %max3A_874 = arith.maximumf %sqrt3A_871, %max3A_873 : vector<8x1xf32>
    %div3A_875 = vector.broadcast %max3A_874 : vector<8x1xf32> to vector<8x96xf32>
    %div3A_876 = arith.divf %div3A_866, %div3A_875 : vector<8x96xf32>
    %dot_general3A_877 = arith.constant dense<0.000000e+00> : vector<576x8xf32>
    %dot_general3A_878 = tpu.matmul %div3A_747, %div3A_876, %dot_general3A_877 {dimension_numbers = #tpu.dot_dimension_numbers<[1], [1], [0], [0], [0, 0, 1, 0], [], []>, precision = #tpu.contract_precision<fp32>, transpose_lhs_hint = false} : vector<576x96xf32>, vector<8x96xf32>, vector<576x8xf32> -> vector<576x8xf32>
    %mul3A_879 = arith.constant 1.000000e+01 : f32
    %mul3A_880 = vector.broadcast %mul3A_879 : f32 to vector<576x8xf32>
    %mul3A_881 = arith.mulf %dot_general3A_878, %mul3A_880 : vector<576x8xf32>
    %reduce_max3A_882 = arith.constant dense<0xFF800000> : vector<576xf32>
    %reduce_max3A_883 = vector.multi_reduction <maximumf>, %mul3A_881, %reduce_max3A_882 [1] : vector<576x8xf32> to vector<576xf32>
    %broadcast_in_dim3A_884 = vector.shape_cast %reduce_max3A_883 : vector<576xf32> to vector<576x1xf32>
    %sub3A_885 = vector.broadcast %broadcast_in_dim3A_884 : vector<576x1xf32> to vector<576x8xf32>
    %sub3A_886 = arith.subf %mul3A_881, %sub3A_885 : vector<576x8xf32>
    %exp3A_887 = math.exp %sub3A_886 : vector<576x8xf32>
    %reduce_sum3A_888 = arith.constant dense<0.000000e+00> : vector<576xf32>
    %reduce_sum3A_889 = vector.multi_reduction <add>, %exp3A_887, %reduce_sum3A_888 [1] : vector<576x8xf32> to vector<576xf32>
    %broadcast_in_dim3A_890 = vector.shape_cast %reduce_sum3A_889 : vector<576xf32> to vector<576x1xf32>
    %div3A_891 = vector.broadcast %broadcast_in_dim3A_890 : vector<576x1xf32> to vector<576x8xf32>
    %div3A_892 = arith.divf %exp3A_887, %div3A_891 : vector<576x8xf32>
    %dot_general3A_893 = arith.constant dense<0.000000e+00> : vector<576x96xf32>
    %dot_general3A_894 = tpu.matmul %div3A_892, %div3A_866, %dot_general3A_893 {dimension_numbers = #tpu.dot_dimension_numbers<[1], [0], [0], [1], [0, 0, 1, 1], [], []>, transpose_lhs_hint = false} : vector<576x8xf32>, vector<8x96xf32>, vector<576x96xf32> -> vector<576x96xf32>
    %add3A_895 = arith.addf %dot_general3A_894, %add3A_727 : vector<576x96xf32>
    %get3A_896 = arith.constant 0 : index
    %get3A_897 = arith.constant 0 : index
    %get3A_898 = vector.load %arg17[%get3A_896, %get3A_897] : memref<96x96xf32, #tpu.memory_space<vmem>>, vector<96x96xf32>
    %dot_general3A_899 = arith.constant dense<0.000000e+00> : vector<576x96xf32>
    %dot_general3A_900 = tpu.matmul %add3A_895, %get3A_898, %dot_general3A_899 {dimension_numbers = #tpu.dot_dimension_numbers<[1], [1], [0], [0], [0, 0, 1, 0], [], []>, transpose_lhs_hint = false} : vector<576x96xf32>, vector<96x96xf32>, vector<576x96xf32> -> vector<576x96xf32>
    %get3A_901 = arith.constant 0 : index
    %get3A_902 = arith.constant 0 : index
    %get3A_903 = vector.load %arg18[%get3A_901, %get3A_902] : memref<1x96xf32, #tpu.memory_space<vmem>>, vector<1x96xf32>
    %add3A_904 = vector.broadcast %get3A_903 : vector<1x96xf32> to vector<576x96xf32>
    %add3A_905 = arith.addf %dot_general3A_900, %add3A_904 : vector<576x96xf32>
    %get3A_906 = arith.constant 0 : index
    %get3A_907 = arith.constant 0 : index
    %get3A_908 = vector.load %arg19[%get3A_906, %get3A_907] : memref<96x96xf32, #tpu.memory_space<vmem>>, vector<96x96xf32>
    %get3A_909 = arith.constant 0 : index
    %get3A_910 = arith.constant 0 : index
    %get3A_911 = vector.load %arg20[%get3A_909, %get3A_910] : memref<96x1xf32, #tpu.memory_space<vmem>>, vector<96x1xf32>
    %slice3A_912 = vector.extract_strided_slice %add3A_905 {offsets = [0, 0], sizes = [24, 96], strides = [1, 1]} : vector<576x96xf32> to vector<24x96xf32>
    %dot_general3A_913 = arith.constant dense<0.000000e+00> : vector<96x24xf32>
    %dot_general3A_914 = tpu.matmul %get3A_908, %slice3A_912, %dot_general3A_913 {dimension_numbers = #tpu.dot_dimension_numbers<[1], [1], [0], [0], [0, 0, 1, 0], [], []>, transpose_lhs_hint = false} : vector<96x96xf32>, vector<24x96xf32>, vector<96x24xf32> -> vector<96x24xf32>
    %add3A_915 = vector.broadcast %get3A_911 : vector<96x1xf32> to vector<96x24xf32>
    %add3A_916 = arith.addf %dot_general3A_914, %add3A_915 : vector<96x24xf32>
    %swap3A = arith.constant 0 : index
    %swap3A_917 = arith.constant 0 : index
    %swap3A_918 = arith.constant 0 : index
    %swap3A_919 = arith.constant 0 : index
    %swap3A_920 = vector.load %arg21[%swap3A, %swap3A_917, %swap3A_918, %swap3A_919] : memref<1x24x96x24xf32, #tpu.memory_space<vmem>>, vector<1x1x96x24xf32>
    %swap3A_921 = vector.shape_cast %swap3A_920 : vector<1x1x96x24xf32> to vector<96x24xf32>
    %swap3A_922 = vector.shape_cast %add3A_916 : vector<96x24xf32> to vector<1x1x96x24xf32>
    tpu.vector_store %arg21[%swap3A, %swap3A_917, %swap3A_918, %swap3A_919], %swap3A_922 {strides = array<i32>} : memref<1x24x96x24xf32, #tpu.memory_space<vmem>>, vector<1x1x96x24xf32>,
    %slice3A_923 = vector.extract_strided_slice %add3A_905 {offsets = [24, 0], sizes = [24, 96], strides = [1, 1]} : vector<576x96xf32> to vector<24x96xf32>
    %dot_general3A_924 = arith.constant dense<0.000000e+00> : vector<96x24xf32>
    %dot_general3A_925 = tpu.matmul %get3A_908, %slice3A_923, %dot_general3A_924 {dimension_numbers = #tpu.dot_dimension_numbers<[1], [1], [0], [0], [0, 0, 1, 0], [], []>, transpose_lhs_hint = false} : vector<96x96xf32>, vector<24x96xf32>, vector<96x24xf32> -> vector<96x24xf32>
    %add3A_926 = vector.broadcast %get3A_911 : vector<96x1xf32> to vector<96x24xf32>
    %add3A_927 = arith.addf %dot_general3A_925, %add3A_926 : vector<96x24xf32>
    %swap3A_928 = arith.constant 0 : index
    %swap3A_929 = arith.constant 1 : index
    %swap3A_930 = arith.constant 0 : index
    %swap3A_931 = arith.constant 0 : index
    %swap3A_932 = vector.load %arg21[%swap3A_928, %swap3A_929, %swap3A_930, %swap3A_931] : memref<1x24x96x24xf32, #tpu.memory_space<vmem>>, vector<1x1x96x24xf32>
    %swap3A_933 = vector.shape_cast %swap3A_932 : vector<1x1x96x24xf32> to vector<96x24xf32>
    %swap3A_934 = vector.shape_cast %add3A_927 : vector<96x24xf32> to vector<1x1x96x24xf32>
    tpu.vector_store %arg21[%swap3A_928, %swap3A_929, %swap3A_930, %swap3A_931], %swap3A_934 {strides = array<i32>} : memref<1x24x96x24xf32, #tpu.memory_space<vmem>>, vector<1x1x96x24xf32>,
    %slice3A_935 = vector.extract_strided_slice %add3A_905 {offsets = [48, 0], sizes = [24, 96], strides = [1, 1]} : vector<576x96xf32> to vector<24x96xf32>
    %dot_general3A_936 = arith.constant dense<0.000000e+00> : vector<96x24xf32>
    %dot_general3A_937 = tpu.matmul %get3A_908, %slice3A_935, %dot_general3A_936 {dimension_numbers = #tpu.dot_dimension_numbers<[1], [1], [0], [0], [0, 0, 1, 0], [], []>, transpose_lhs_hint = false} : vector<96x96xf32>, vector<24x96xf32>, vector<96x24xf32> -> vector<96x24xf32>
    %add3A_938 = vector.broadcast %get3A_911 : vector<96x1xf32> to vector<96x24xf32>
    %add3A_939 = arith.addf %dot_general3A_937, %add3A_938 : vector<96x24xf32>
    %swap3A_940 = arith.constant 0 : index
    %swap3A_941 = arith.constant 2 : index
    %swap3A_942 = arith.constant 0 : index
    %swap3A_943 = arith.constant 0 : index
    %swap3A_944 = vector.load %arg21[%swap3A_940, %swap3A_941, %swap3A_942, %swap3A_943] : memref<1x24x96x24xf32, #tpu.memory_space<vmem>>, vector<1x1x96x24xf32>
    %swap3A_945 = vector.shape_cast %swap3A_944 : vector<1x1x96x24xf32> to vector<96x24xf32>
    %swap3A_946 = vector.shape_cast %add3A_939 : vector<96x24xf32> to vector<1x1x96x24xf32>
    tpu.vector_store %arg21[%swap3A_940, %swap3A_941, %swap3A_942, %swap3A_943], %swap3A_946 {strides = array<i32>} : memref<1x24x96x24xf32, #tpu.memory_space<vmem>>, vector<1x1x96x24xf32>,
    %slice3A_947 = vector.extract_strided_slice %add3A_905 {offsets = [72, 0], sizes = [24, 96], strides = [1, 1]} : vector<576x96xf32> to vector<24x96xf32>
    %dot_general3A_948 = arith.constant dense<0.000000e+00> : vector<96x24xf32>
    %dot_general3A_949 = tpu.matmul %get3A_908, %slice3A_947, %dot_general3A_948 {dimension_numbers = #tpu.dot_dimension_numbers<[1], [1], [0], [0], [0, 0, 1, 0], [], []>, transpose_lhs_hint = false} : vector<96x96xf32>, vector<24x96xf32>, vector<96x24xf32> -> vector<96x24xf32>
    %add3A_950 = vector.broadcast %get3A_911 : vector<96x1xf32> to vector<96x24xf32>
    %add3A_951 = arith.addf %dot_general3A_949, %add3A_950 : vector<96x24xf32>
    %swap3A_952 = arith.constant 0 : index
    %swap3A_953 = arith.constant 3 : index
    %swap3A_954 = arith.constant 0 : index
    %swap3A_955 = arith.constant 0 : index
    %swap3A_956 = vector.load %arg21[%swap3A_952, %swap3A_953, %swap3A_954, %swap3A_955] : memref<1x24x96x24xf32, #tpu.memory_space<vmem>>, vector<1x1x96x24xf32>
    %swap3A_957 = vector.shape_cast %swap3A_956 : vector<1x1x96x24xf32> to vector<96x24xf32>
    %swap3A_958 = vector.shape_cast %add3A_951 : vector<96x24xf32> to vector<1x1x96x24xf32>
    tpu.vector_store %arg21[%swap3A_952, %swap3A_953, %swap3A_954, %swap3A_955], %swap3A_958 {strides = array<i32>} : memref<1x24x96x24xf32, #tpu.memory_space<vmem>>, vector<1x1x96x24xf32>,
    %slice3A_959 = vector.extract_strided_slice %add3A_905 {offsets = [96, 0], sizes = [24, 96], strides = [1, 1]} : vector<576x96xf32> to vector<24x96xf32>
    %dot_general3A_960 = arith.constant dense<0.000000e+00> : vector<96x24xf32>
    %dot_general3A_961 = tpu.matmul %get3A_908, %slice3A_959, %dot_general3A_960 {dimension_numbers = #tpu.dot_dimension_numbers<[1], [1], [0], [0], [0, 0, 1, 0], [], []>, transpose_lhs_hint = false} : vector<96x96xf32>, vector<24x96xf32>, vector<96x24xf32> -> vector<96x24xf32>
    %add3A_962 = vector.broadcast %get3A_911 : vector<96x1xf32> to vector<96x24xf32>
    %add3A_963 = arith.addf %dot_general3A_961, %add3A_962 : vector<96x24xf32>
    %swap3A_964 = arith.constant 0 : index
    %swap3A_965 = arith.constant 4 : index
    %swap3A_966 = arith.constant 0 : index
    %swap3A_967 = arith.constant 0 : index
    %swap3A_968 = vector.load %arg21[%swap3A_964, %swap3A_965, %swap3A_966, %swap3A_967] : memref<1x24x96x24xf32, #tpu.memory_space<vmem>>, vector<1x1x96x24xf32>
    %swap3A_969 = vector.shape_cast %swap3A_968 : vector<1x1x96x24xf32> to vector<96x24xf32>
    %swap3A_970 = vector.shape_cast %add3A_963 : vector<96x24xf32> to vector<1x1x96x24xf32>
    tpu.vector_store %arg21[%swap3A_964, %swap3A_965, %swap3A_966, %swap3A_967], %swap3A_970 {strides = array<i32>} : memref<1x24x96x24xf32, #tpu.memory_space<vmem>>, vector<1x1x96x24xf32>,
    %slice3A_971 = vector.extract_strided_slice %add3A_905 {offsets = [120, 0], sizes = [24, 96], strides = [1, 1]} : vector<576x96xf32> to vector<24x96xf32>
    %dot_general3A_972 = arith.constant dense<0.000000e+00> : vector<96x24xf32>
    %dot_general3A_973 = tpu.matmul %get3A_908, %slice3A_971, %dot_general3A_972 {dimension_numbers = #tpu.dot_dimension_numbers<[1], [1], [0], [0], [0, 0, 1, 0], [], []>, transpose_lhs_hint = false} : vector<96x96xf32>, vector<24x96xf32>, vector<96x24xf32> -> vector<96x24xf32>
    %add3A_974 = vector.broadcast %get3A_911 : vector<96x1xf32> to vector<96x24xf32>
    %add3A_975 = arith.addf %dot_general3A_973, %add3A_974 : vector<96x24xf32>
    %swap3A_976 = arith.constant 0 : index
    %swap3A_977 = arith.constant 5 : index
    %swap3A_978 = arith.constant 0 : index
    %swap3A_979 = arith.constant 0 : index
    %swap3A_980 = vector.load %arg21[%swap3A_976, %swap3A_977, %swap3A_978, %swap3A_979] : memref<1x24x96x24xf32, #tpu.memory_space<vmem>>, vector<1x1x96x24xf32>
    %swap3A_981 = vector.shape_cast %swap3A_980 : vector<1x1x96x24xf32> to vector<96x24xf32>
    %swap3A_982 = vector.shape_cast %add3A_975 : vector<96x24xf32> to vector<1x1x96x24xf32>
    tpu.vector_store %arg21[%swap3A_976, %swap3A_977, %swap3A_978, %swap3A_979], %swap3A_982 {strides = array<i32>} : memref<1x24x96x24xf32, #tpu.memory_space<vmem>>, vector<1x1x96x24xf32>,
    %slice3A_983 = vector.extract_strided_slice %add3A_905 {offsets = [144, 0], sizes = [24, 96], strides = [1, 1]} : vector<576x96xf32> to vector<24x96xf32>
    %dot_general3A_984 = arith.constant dense<0.000000e+00> : vector<96x24xf32>
    %dot_general3A_985 = tpu.matmul %get3A_908, %slice3A_983, %dot_general3A_984 {dimension_numbers = #tpu.dot_dimension_numbers<[1], [1], [0], [0], [0, 0, 1, 0], [], []>, transpose_lhs_hint = false} : vector<96x96xf32>, vector<24x96xf32>, vector<96x24xf32> -> vector<96x24xf32>
    %add3A_986 = vector.broadcast %get3A_911 : vector<96x1xf32> to vector<96x24xf32>
    %add3A_987 = arith.addf %dot_general3A_985, %add3A_986 : vector<96x24xf32>
    %swap3A_988 = arith.constant 0 : index
    %swap3A_989 = arith.constant 6 : index
    %swap3A_990 = arith.constant 0 : index
    %swap3A_991 = arith.constant 0 : index
    %swap3A_992 = vector.load %arg21[%swap3A_988, %swap3A_989, %swap3A_990, %swap3A_991] : memref<1x24x96x24xf32, #tpu.memory_space<vmem>>, vector<1x1x96x24xf32>
    %swap3A_993 = vector.shape_cast %swap3A_992 : vector<1x1x96x24xf32> to vector<96x24xf32>
    %swap3A_994 = vector.shape_cast %add3A_987 : vector<96x24xf32> to vector<1x1x96x24xf32>
    tpu.vector_store %arg21[%swap3A_988, %swap3A_989, %swap3A_990, %swap3A_991], %swap3A_994 {strides = array<i32>} : memref<1x24x96x24xf32, #tpu.memory_space<vmem>>, vector<1x1x96x24xf32>,
    %slice3A_995 = vector.extract_strided_slice %add3A_905 {offsets = [168, 0], sizes = [24, 96], strides = [1, 1]} : vector<576x96xf32> to vector<24x96xf32>
    %dot_general3A_996 = arith.constant dense<0.000000e+00> : vector<96x24xf32>
    %dot_general3A_997 = tpu.matmul %get3A_908, %slice3A_995, %dot_general3A_996 {dimension_numbers = #tpu.dot_dimension_numbers<[1], [1], [0], [0], [0, 0, 1, 0], [], []>, transpose_lhs_hint = false} : vector<96x96xf32>, vector<24x96xf32>, vector<96x24xf32> -> vector<96x24xf32>
    %add3A_998 = vector.broadcast %get3A_911 : vector<96x1xf32> to vector<96x24xf32>
    %add3A_999 = arith.addf %dot_general3A_997, %add3A_998 : vector<96x24xf32>
    %swap3A_1000 = arith.constant 0 : index
    %swap3A_1001 = arith.constant 7 : index
    %swap3A_1002 = arith.constant 0 : index
    %swap3A_1003 = arith.constant 0 : index
    %swap3A_1004 = vector.load %arg21[%swap3A_1000, %swap3A_1001, %swap3A_1002, %swap3A_1003] : memref<1x24x96x24xf32, #tpu.memory_space<vmem>>, vector<1x1x96x24xf32>
    %swap3A_1005 = vector.shape_cast %swap3A_1004 : vector<1x1x96x24xf32> to vector<96x24xf32>
    %swap3A_1006 = vector.shape_cast %add3A_999 : vector<96x24xf32> to vector<1x1x96x24xf32>
    tpu.vector_store %arg21[%swap3A_1000, %swap3A_1001, %swap3A_1002, %swap3A_1003], %swap3A_1006 {strides = array<i32>} : memref<1x24x96x24xf32, #tpu.memory_space<vmem>>, vector<1x1x96x24xf32>,
    %slice3A_1007 = vector.extract_strided_slice %add3A_905 {offsets = [192, 0], sizes = [24, 96], strides = [1, 1]} : vector<576x96xf32> to vector<24x96xf32>
    %dot_general3A_1008 = arith.constant dense<0.000000e+00> : vector<96x24xf32>
    %dot_general3A_1009 = tpu.matmul %get3A_908, %slice3A_1007, %dot_general3A_1008 {dimension_numbers = #tpu.dot_dimension_numbers<[1], [1], [0], [0], [0, 0, 1, 0], [], []>, transpose_lhs_hint = false} : vector<96x96xf32>, vector<24x96xf32>, vector<96x24xf32> -> vector<96x24xf32>
    %add3A_1010 = vector.broadcast %get3A_911 : vector<96x1xf32> to vector<96x24xf32>
    %add3A_1011 = arith.addf %dot_general3A_1009, %add3A_1010 : vector<96x24xf32>
    %swap3A_1012 = arith.constant 0 : index
    %swap3A_1013 = arith.constant 8 : index
    %swap3A_1014 = arith.constant 0 : index
    %swap3A_1015 = arith.constant 0 : index
    %swap3A_1016 = vector.load %arg21[%swap3A_1012, %swap3A_1013, %swap3A_1014, %swap3A_1015] : memref<1x24x96x24xf32, #tpu.memory_space<vmem>>, vector<1x1x96x24xf32>
    %swap3A_1017 = vector.shape_cast %swap3A_1016 : vector<1x1x96x24xf32> to vector<96x24xf32>
    %swap3A_1018 = vector.shape_cast %add3A_1011 : vector<96x24xf32> to vector<1x1x96x24xf32>
    tpu.vector_store %arg21[%swap3A_1012, %swap3A_1013, %swap3A_1014, %swap3A_1015], %swap3A_1018 {strides = array<i32>} : memref<1x24x96x24xf32, #tpu.memory_space<vmem>>, vector<1x1x96x24xf32>,
    %slice3A_1019 = vector.extract_strided_slice %add3A_905 {offsets = [216, 0], sizes = [24, 96], strides = [1, 1]} : vector<576x96xf32> to vector<24x96xf32>
    %dot_general3A_1020 = arith.constant dense<0.000000e+00> : vector<96x24xf32>
    %dot_general3A_1021 = tpu.matmul %get3A_908, %slice3A_1019, %dot_general3A_1020 {dimension_numbers = #tpu.dot_dimension_numbers<[1], [1], [0], [0], [0, 0, 1, 0], [], []>, transpose_lhs_hint = false} : vector<96x96xf32>, vector<24x96xf32>, vector<96x24xf32> -> vector<96x24xf32>
    %add3A_1022 = vector.broadcast %get3A_911 : vector<96x1xf32> to vector<96x24xf32>
    %add3A_1023 = arith.addf %dot_general3A_1021, %add3A_1022 : vector<96x24xf32>
    %swap3A_1024 = arith.constant 0 : index
    %swap3A_1025 = arith.constant 9 : index
    %swap3A_1026 = arith.constant 0 : index
    %swap3A_1027 = arith.constant 0 : index
    %swap3A_1028 = vector.load %arg21[%swap3A_1024, %swap3A_1025, %swap3A_1026, %swap3A_1027] : memref<1x24x96x24xf32, #tpu.memory_space<vmem>>, vector<1x1x96x24xf32>
    %swap3A_1029 = vector.shape_cast %swap3A_1028 : vector<1x1x96x24xf32> to vector<96x24xf32>
    %swap3A_1030 = vector.shape_cast %add3A_1023 : vector<96x24xf32> to vector<1x1x96x24xf32>
    tpu.vector_store %arg21[%swap3A_1024, %swap3A_1025, %swap3A_1026, %swap3A_1027], %swap3A_1030 {strides = array<i32>} : memref<1x24x96x24xf32, #tpu.memory_space<vmem>>, vector<1x1x96x24xf32>,
    %slice3A_1031 = vector.extract_strided_slice %add3A_905 {offsets = [240, 0], sizes = [24, 96], strides = [1, 1]} : vector<576x96xf32> to vector<24x96xf32>
    %dot_general3A_1032 = arith.constant dense<0.000000e+00> : vector<96x24xf32>
    %dot_general3A_1033 = tpu.matmul %get3A_908, %slice3A_1031, %dot_general3A_1032 {dimension_numbers = #tpu.dot_dimension_numbers<[1], [1], [0], [0], [0, 0, 1, 0], [], []>, transpose_lhs_hint = false} : vector<96x96xf32>, vector<24x96xf32>, vector<96x24xf32> -> vector<96x24xf32>
    %add3A_1034 = vector.broadcast %get3A_911 : vector<96x1xf32> to vector<96x24xf32>
    %add3A_1035 = arith.addf %dot_general3A_1033, %add3A_1034 : vector<96x24xf32>
    %swap3A_1036 = arith.constant 0 : index
    %swap3A_1037 = arith.constant 10 : index
    %swap3A_1038 = arith.constant 0 : index
    %swap3A_1039 = arith.constant 0 : index
    %swap3A_1040 = vector.load %arg21[%swap3A_1036, %swap3A_1037, %swap3A_1038, %swap3A_1039] : memref<1x24x96x24xf32, #tpu.memory_space<vmem>>, vector<1x1x96x24xf32>
    %swap3A_1041 = vector.shape_cast %swap3A_1040 : vector<1x1x96x24xf32> to vector<96x24xf32>
    %swap3A_1042 = vector.shape_cast %add3A_1035 : vector<96x24xf32> to vector<1x1x96x24xf32>
    tpu.vector_store %arg21[%swap3A_1036, %swap3A_1037, %swap3A_1038, %swap3A_1039], %swap3A_1042 {strides = array<i32>} : memref<1x24x96x24xf32, #tpu.memory_space<vmem>>, vector<1x1x96x24xf32>,
    %slice3A_1043 = vector.extract_strided_slice %add3A_905 {offsets = [264, 0], sizes = [24, 96], strides = [1, 1]} : vector<576x96xf32> to vector<24x96xf32>
    %dot_general3A_1044 = arith.constant dense<0.000000e+00> : vector<96x24xf32>
    %dot_general3A_1045 = tpu.matmul %get3A_908, %slice3A_1043, %dot_general3A_1044 {dimension_numbers = #tpu.dot_dimension_numbers<[1], [1], [0], [0], [0, 0, 1, 0], [], []>, transpose_lhs_hint = false} : vector<96x96xf32>, vector<24x96xf32>, vector<96x24xf32> -> vector<96x24xf32>
    %add3A_1046 = vector.broadcast %get3A_911 : vector<96x1xf32> to vector<96x24xf32>
    %add3A_1047 = arith.addf %dot_general3A_1045, %add3A_1046 : vector<96x24xf32>
    %swap3A_1048 = arith.constant 0 : index
    %swap3A_1049 = arith.constant 11 : index
    %swap3A_1050 = arith.constant 0 : index
    %swap3A_1051 = arith.constant 0 : index
    %swap3A_1052 = vector.load %arg21[%swap3A_1048, %swap3A_1049, %swap3A_1050, %swap3A_1051] : memref<1x24x96x24xf32, #tpu.memory_space<vmem>>, vector<1x1x96x24xf32>
    %swap3A_1053 = vector.shape_cast %swap3A_1052 : vector<1x1x96x24xf32> to vector<96x24xf32>
    %swap3A_1054 = vector.shape_cast %add3A_1047 : vector<96x24xf32> to vector<1x1x96x24xf32>
    tpu.vector_store %arg21[%swap3A_1048, %swap3A_1049, %swap3A_1050, %swap3A_1051], %swap3A_1054 {strides = array<i32>} : memref<1x24x96x24xf32, #tpu.memory_space<vmem>>, vector<1x1x96x24xf32>,
    %slice3A_1055 = vector.extract_strided_slice %add3A_905 {offsets = [288, 0], sizes = [24, 96], strides = [1, 1]} : vector<576x96xf32> to vector<24x96xf32>
    %dot_general3A_1056 = arith.constant dense<0.000000e+00> : vector<96x24xf32>
    %dot_general3A_1057 = tpu.matmul %get3A_908, %slice3A_1055, %dot_general3A_1056 {dimension_numbers = #tpu.dot_dimension_numbers<[1], [1], [0], [0], [0, 0, 1, 0], [], []>, transpose_lhs_hint = false} : vector<96x96xf32>, vector<24x96xf32>, vector<96x24xf32> -> vector<96x24xf32>
    %add3A_1058 = vector.broadcast %get3A_911 : vector<96x1xf32> to vector<96x24xf32>
    %add3A_1059 = arith.addf %dot_general3A_1057, %add3A_1058 : vector<96x24xf32>
    %swap3A_1060 = arith.constant 0 : index
    %swap3A_1061 = arith.constant 12 : index
    %swap3A_1062 = arith.constant 0 : index
    %swap3A_1063 = arith.constant 0 : index
    %swap3A_1064 = vector.load %arg21[%swap3A_1060, %swap3A_1061, %swap3A_1062, %swap3A_1063] : memref<1x24x96x24xf32, #tpu.memory_space<vmem>>, vector<1x1x96x24xf32>
    %swap3A_1065 = vector.shape_cast %swap3A_1064 : vector<1x1x96x24xf32> to vector<96x24xf32>
    %swap3A_1066 = vector.shape_cast %add3A_1059 : vector<96x24xf32> to vector<1x1x96x24xf32>
    tpu.vector_store %arg21[%swap3A_1060, %swap3A_1061, %swap3A_1062, %swap3A_1063], %swap3A_1066 {strides = array<i32>} : memref<1x24x96x24xf32, #tpu.memory_space<vmem>>, vector<1x1x96x24xf32>,
    %slice3A_1067 = vector.extract_strided_slice %add3A_905 {offsets = [312, 0], sizes = [24, 96], strides = [1, 1]} : vector<576x96xf32> to vector<24x96xf32>
    %dot_general3A_1068 = arith.constant dense<0.000000e+00> : vector<96x24xf32>
    %dot_general3A_1069 = tpu.matmul %get3A_908, %slice3A_1067, %dot_general3A_1068 {dimension_numbers = #tpu.dot_dimension_numbers<[1], [1], [0], [0], [0, 0, 1, 0], [], []>, transpose_lhs_hint = false} : vector<96x96xf32>, vector<24x96xf32>, vector<96x24xf32> -> vector<96x24xf32>
    %add3A_1070 = vector.broadcast %get3A_911 : vector<96x1xf32> to vector<96x24xf32>
    %add3A_1071 = arith.addf %dot_general3A_1069, %add3A_1070 : vector<96x24xf32>
    %swap3A_1072 = arith.constant 0 : index
    %swap3A_1073 = arith.constant 13 : index
    %swap3A_1074 = arith.constant 0 : index
    %swap3A_1075 = arith.constant 0 : index
    %swap3A_1076 = vector.load %arg21[%swap3A_1072, %swap3A_1073, %swap3A_1074, %swap3A_1075] : memref<1x24x96x24xf32, #tpu.memory_space<vmem>>, vector<1x1x96x24xf32>
    %swap3A_1077 = vector.shape_cast %swap3A_1076 : vector<1x1x96x24xf32> to vector<96x24xf32>
    %swap3A_1078 = vector.shape_cast %add3A_1071 : vector<96x24xf32> to vector<1x1x96x24xf32>
    tpu.vector_store %arg21[%swap3A_1072, %swap3A_1073, %swap3A_1074, %swap3A_1075], %swap3A_1078 {strides = array<i32>} : memref<1x24x96x24xf32, #tpu.memory_space<vmem>>, vector<1x1x96x24xf32>,
    %slice3A_1079 = vector.extract_strided_slice %add3A_905 {offsets = [336, 0], sizes = [24, 96], strides = [1, 1]} : vector<576x96xf32> to vector<24x96xf32>
    %dot_general3A_1080 = arith.constant dense<0.000000e+00> : vector<96x24xf32>
    %dot_general3A_1081 = tpu.matmul %get3A_908, %slice3A_1079, %dot_general3A_1080 {dimension_numbers = #tpu.dot_dimension_numbers<[1], [1], [0], [0], [0, 0, 1, 0], [], []>, transpose_lhs_hint = false} : vector<96x96xf32>, vector<24x96xf32>, vector<96x24xf32> -> vector<96x24xf32>
    %add3A_1082 = vector.broadcast %get3A_911 : vector<96x1xf32> to vector<96x24xf32>
    %add3A_1083 = arith.addf %dot_general3A_1081, %add3A_1082 : vector<96x24xf32>
    %swap3A_1084 = arith.constant 0 : index
    %swap3A_1085 = arith.constant 14 : index
    %swap3A_1086 = arith.constant 0 : index
    %swap3A_1087 = arith.constant 0 : index
    %swap3A_1088 = vector.load %arg21[%swap3A_1084, %swap3A_1085, %swap3A_1086, %swap3A_1087] : memref<1x24x96x24xf32, #tpu.memory_space<vmem>>, vector<1x1x96x24xf32>
    %swap3A_1089 = vector.shape_cast %swap3A_1088 : vector<1x1x96x24xf32> to vector<96x24xf32>
    %swap3A_1090 = vector.shape_cast %add3A_1083 : vector<96x24xf32> to vector<1x1x96x24xf32>
    tpu.vector_store %arg21[%swap3A_1084, %swap3A_1085, %swap3A_1086, %swap3A_1087], %swap3A_1090 {strides = array<i32>} : memref<1x24x96x24xf32, #tpu.memory_space<vmem>>, vector<1x1x96x24xf32>,
    %slice3A_1091 = vector.extract_strided_slice %add3A_905 {offsets = [360, 0], sizes = [24, 96], strides = [1, 1]} : vector<576x96xf32> to vector<24x96xf32>
    %dot_general3A_1092 = arith.constant dense<0.000000e+00> : vector<96x24xf32>
    %dot_general3A_1093 = tpu.matmul %get3A_908, %slice3A_1091, %dot_general3A_1092 {dimension_numbers = #tpu.dot_dimension_numbers<[1], [1], [0], [0], [0, 0, 1, 0], [], []>, transpose_lhs_hint = false} : vector<96x96xf32>, vector<24x96xf32>, vector<96x24xf32> -> vector<96x24xf32>
    %add3A_1094 = vector.broadcast %get3A_911 : vector<96x1xf32> to vector<96x24xf32>
    %add3A_1095 = arith.addf %dot_general3A_1093, %add3A_1094 : vector<96x24xf32>
    %swap3A_1096 = arith.constant 0 : index
    %swap3A_1097 = arith.constant 15 : index
    %swap3A_1098 = arith.constant 0 : index
    %swap3A_1099 = arith.constant 0 : index
    %swap3A_1100 = vector.load %arg21[%swap3A_1096, %swap3A_1097, %swap3A_1098, %swap3A_1099] : memref<1x24x96x24xf32, #tpu.memory_space<vmem>>, vector<1x1x96x24xf32>
    %swap3A_1101 = vector.shape_cast %swap3A_1100 : vector<1x1x96x24xf32> to vector<96x24xf32>
    %swap3A_1102 = vector.shape_cast %add3A_1095 : vector<96x24xf32> to vector<1x1x96x24xf32>
    tpu.vector_store %arg21[%swap3A_1096, %swap3A_1097, %swap3A_1098, %swap3A_1099], %swap3A_1102 {strides = array<i32>} : memref<1x24x96x24xf32, #tpu.memory_space<vmem>>, vector<1x1x96x24xf32>,
    %slice3A_1103 = vector.extract_strided_slice %add3A_905 {offsets = [384, 0], sizes = [24, 96], strides = [1, 1]} : vector<576x96xf32> to vector<24x96xf32>
    %dot_general3A_1104 = arith.constant dense<0.000000e+00> : vector<96x24xf32>
    %dot_general3A_1105 = tpu.matmul %get3A_908, %slice3A_1103, %dot_general3A_1104 {dimension_numbers = #tpu.dot_dimension_numbers<[1], [1], [0], [0], [0, 0, 1, 0], [], []>, transpose_lhs_hint = false} : vector<96x96xf32>, vector<24x96xf32>, vector<96x24xf32> -> vector<96x24xf32>
    %add3A_1106 = vector.broadcast %get3A_911 : vector<96x1xf32> to vector<96x24xf32>
    %add3A_1107 = arith.addf %dot_general3A_1105, %add3A_1106 : vector<96x24xf32>
    %swap3A_1108 = arith.constant 0 : index
    %swap3A_1109 = arith.constant 16 : index
    %swap3A_1110 = arith.constant 0 : index
    %swap3A_1111 = arith.constant 0 : index
    %swap3A_1112 = vector.load %arg21[%swap3A_1108, %swap3A_1109, %swap3A_1110, %swap3A_1111] : memref<1x24x96x24xf32, #tpu.memory_space<vmem>>, vector<1x1x96x24xf32>
    %swap3A_1113 = vector.shape_cast %swap3A_1112 : vector<1x1x96x24xf32> to vector<96x24xf32>
    %swap3A_1114 = vector.shape_cast %add3A_1107 : vector<96x24xf32> to vector<1x1x96x24xf32>
    tpu.vector_store %arg21[%swap3A_1108, %swap3A_1109, %swap3A_1110, %swap3A_1111], %swap3A_1114 {strides = array<i32>} : memref<1x24x96x24xf32, #tpu.memory_space<vmem>>, vector<1x1x96x24xf32>,
    %slice3A_1115 = vector.extract_strided_slice %add3A_905 {offsets = [408, 0], sizes = [24, 96], strides = [1, 1]} : vector<576x96xf32> to vector<24x96xf32>
    %dot_general3A_1116 = arith.constant dense<0.000000e+00> : vector<96x24xf32>
    %dot_general3A_1117 = tpu.matmul %get3A_908, %slice3A_1115, %dot_general3A_1116 {dimension_numbers = #tpu.dot_dimension_numbers<[1], [1], [0], [0], [0, 0, 1, 0], [], []>, transpose_lhs_hint = false} : vector<96x96xf32>, vector<24x96xf32>, vector<96x24xf32> -> vector<96x24xf32>
    %add3A_1118 = vector.broadcast %get3A_911 : vector<96x1xf32> to vector<96x24xf32>
    %add3A_1119 = arith.addf %dot_general3A_1117, %add3A_1118 : vector<96x24xf32>
    %swap3A_1120 = arith.constant 0 : index
    %swap3A_1121 = arith.constant 17 : index
    %swap3A_1122 = arith.constant 0 : index
    %swap3A_1123 = arith.constant 0 : index
    %swap3A_1124 = vector.load %arg21[%swap3A_1120, %swap3A_1121, %swap3A_1122, %swap3A_1123] : memref<1x24x96x24xf32, #tpu.memory_space<vmem>>, vector<1x1x96x24xf32>
    %swap3A_1125 = vector.shape_cast %swap3A_1124 : vector<1x1x96x24xf32> to vector<96x24xf32>
    %swap3A_1126 = vector.shape_cast %add3A_1119 : vector<96x24xf32> to vector<1x1x96x24xf32>
    tpu.vector_store %arg21[%swap3A_1120, %swap3A_1121, %swap3A_1122, %swap3A_1123], %swap3A_1126 {strides = array<i32>} : memref<1x24x96x24xf32, #tpu.memory_space<vmem>>, vector<1x1x96x24xf32>,
    %slice3A_1127 = vector.extract_strided_slice %add3A_905 {offsets = [432, 0], sizes = [24, 96], strides = [1, 1]} : vector<576x96xf32> to vector<24x96xf32>
    %dot_general3A_1128 = arith.constant dense<0.000000e+00> : vector<96x24xf32>
    %dot_general3A_1129 = tpu.matmul %get3A_908, %slice3A_1127, %dot_general3A_1128 {dimension_numbers = #tpu.dot_dimension_numbers<[1], [1], [0], [0], [0, 0, 1, 0], [], []>, transpose_lhs_hint = false} : vector<96x96xf32>, vector<24x96xf32>, vector<96x24xf32> -> vector<96x24xf32>
    %add3A_1130 = vector.broadcast %get3A_911 : vector<96x1xf32> to vector<96x24xf32>
    %add3A_1131 = arith.addf %dot_general3A_1129, %add3A_1130 : vector<96x24xf32>
    %swap3A_1132 = arith.constant 0 : index
    %swap3A_1133 = arith.constant 18 : index
    %swap3A_1134 = arith.constant 0 : index
    %swap3A_1135 = arith.constant 0 : index
    %swap3A_1136 = vector.load %arg21[%swap3A_1132, %swap3A_1133, %swap3A_1134, %swap3A_1135] : memref<1x24x96x24xf32, #tpu.memory_space<vmem>>, vector<1x1x96x24xf32>
    %swap3A_1137 = vector.shape_cast %swap3A_1136 : vector<1x1x96x24xf32> to vector<96x24xf32>
    %swap3A_1138 = vector.shape_cast %add3A_1131 : vector<96x24xf32> to vector<1x1x96x24xf32>
    tpu.vector_store %arg21[%swap3A_1132, %swap3A_1133, %swap3A_1134, %swap3A_1135], %swap3A_1138 {strides = array<i32>} : memref<1x24x96x24xf32, #tpu.memory_space<vmem>>, vector<1x1x96x24xf32>,
    %slice3A_1139 = vector.extract_strided_slice %add3A_905 {offsets = [456, 0], sizes = [24, 96], strides = [1, 1]} : vector<576x96xf32> to vector<24x96xf32>
    %dot_general3A_1140 = arith.constant dense<0.000000e+00> : vector<96x24xf32>
    %dot_general3A_1141 = tpu.matmul %get3A_908, %slice3A_1139, %dot_general3A_1140 {dimension_numbers = #tpu.dot_dimension_numbers<[1], [1], [0], [0], [0, 0, 1, 0], [], []>, transpose_lhs_hint = false} : vector<96x96xf32>, vector<24x96xf32>, vector<96x24xf32> -> vector<96x24xf32>
    %add3A_1142 = vector.broadcast %get3A_911 : vector<96x1xf32> to vector<96x24xf32>
    %add3A_1143 = arith.addf %dot_general3A_1141, %add3A_1142 : vector<96x24xf32>
    %swap3A_1144 = arith.constant 0 : index
    %swap3A_1145 = arith.constant 19 : index
    %swap3A_1146 = arith.constant 0 : index
    %swap3A_1147 = arith.constant 0 : index
    %swap3A_1148 = vector.load %arg21[%swap3A_1144, %swap3A_1145, %swap3A_1146, %swap3A_1147] : memref<1x24x96x24xf32, #tpu.memory_space<vmem>>, vector<1x1x96x24xf32>
    %swap3A_1149 = vector.shape_cast %swap3A_1148 : vector<1x1x96x24xf32> to vector<96x24xf32>
    %swap3A_1150 = vector.shape_cast %add3A_1143 : vector<96x24xf32> to vector<1x1x96x24xf32>
    tpu.vector_store %arg21[%swap3A_1144, %swap3A_1145, %swap3A_1146, %swap3A_1147], %swap3A_1150 {strides = array<i32>} : memref<1x24x96x24xf32, #tpu.memory_space<vmem>>, vector<1x1x96x24xf32>,
    %slice3A_1151 = vector.extract_strided_slice %add3A_905 {offsets = [480, 0], sizes = [24, 96], strides = [1, 1]} : vector<576x96xf32> to vector<24x96xf32>
    %dot_general3A_1152 = arith.constant dense<0.000000e+00> : vector<96x24xf32>
    %dot_general3A_1153 = tpu.matmul %get3A_908, %slice3A_1151, %dot_general3A_1152 {dimension_numbers = #tpu.dot_dimension_numbers<[1], [1], [0], [0], [0, 0, 1, 0], [], []>, transpose_lhs_hint = false} : vector<96x96xf32>, vector<24x96xf32>, vector<96x24xf32> -> vector<96x24xf32>
    %add3A_1154 = vector.broadcast %get3A_911 : vector<96x1xf32> to vector<96x24xf32>
    %add3A_1155 = arith.addf %dot_general3A_1153, %add3A_1154 : vector<96x24xf32>
    %swap3A_1156 = arith.constant 0 : index
    %swap3A_1157 = arith.constant 20 : index
    %swap3A_1158 = arith.constant 0 : index
    %swap3A_1159 = arith.constant 0 : index
    %swap3A_1160 = vector.load %arg21[%swap3A_1156, %swap3A_1157, %swap3A_1158, %swap3A_1159] : memref<1x24x96x24xf32, #tpu.memory_space<vmem>>, vector<1x1x96x24xf32>
    %swap3A_1161 = vector.shape_cast %swap3A_1160 : vector<1x1x96x24xf32> to vector<96x24xf32>
    %swap3A_1162 = vector.shape_cast %add3A_1155 : vector<96x24xf32> to vector<1x1x96x24xf32>
    tpu.vector_store %arg21[%swap3A_1156, %swap3A_1157, %swap3A_1158, %swap3A_1159], %swap3A_1162 {strides = array<i32>} : memref<1x24x96x24xf32, #tpu.memory_space<vmem>>, vector<1x1x96x24xf32>,
    %slice3A_1163 = vector.extract_strided_slice %add3A_905 {offsets = [504, 0], sizes = [24, 96], strides = [1, 1]} : vector<576x96xf32> to vector<24x96xf32>
    %dot_general3A_1164 = arith.constant dense<0.000000e+00> : vector<96x24xf32>
    %dot_general3A_1165 = tpu.matmul %get3A_908, %slice3A_1163, %dot_general3A_1164 {dimension_numbers = #tpu.dot_dimension_numbers<[1], [1], [0], [0], [0, 0, 1, 0], [], []>, transpose_lhs_hint = false} : vector<96x96xf32>, vector<24x96xf32>, vector<96x24xf32> -> vector<96x24xf32>
    %add3A_1166 = vector.broadcast %get3A_911 : vector<96x1xf32> to vector<96x24xf32>
    %add3A_1167 = arith.addf %dot_general3A_1165, %add3A_1166 : vector<96x24xf32>
    %swap3A_1168 = arith.constant 0 : index
    %swap3A_1169 = arith.constant 21 : index
    %swap3A_1170 = arith.constant 0 : index
    %swap3A_1171 = arith.constant 0 : index
    %swap3A_1172 = vector.load %arg21[%swap3A_1168, %swap3A_1169, %swap3A_1170, %swap3A_1171] : memref<1x24x96x24xf32, #tpu.memory_space<vmem>>, vector<1x1x96x24xf32>
    %swap3A_1173 = vector.shape_cast %swap3A_1172 : vector<1x1x96x24xf32> to vector<96x24xf32>
    %swap3A_1174 = vector.shape_cast %add3A_1167 : vector<96x24xf32> to vector<1x1x96x24xf32>
    tpu.vector_store %arg21[%swap3A_1168, %swap3A_1169, %swap3A_1170, %swap3A_1171], %swap3A_1174 {strides = array<i32>} : memref<1x24x96x24xf32, #tpu.memory_space<vmem>>, vector<1x1x96x24xf32>,
    %slice3A_1175 = vector.extract_strided_slice %add3A_905 {offsets = [528, 0], sizes = [24, 96], strides = [1, 1]} : vector<576x96xf32> to vector<24x96xf32>
    %dot_general3A_1176 = arith.constant dense<0.000000e+00> : vector<96x24xf32>
    %dot_general3A_1177 = tpu.matmul %get3A_908, %slice3A_1175, %dot_general3A_1176 {dimension_numbers = #tpu.dot_dimension_numbers<[1], [1], [0], [0], [0, 0, 1, 0], [], []>, transpose_lhs_hint = false} : vector<96x96xf32>, vector<24x96xf32>, vector<96x24xf32> -> vector<96x24xf32>
    %add3A_1178 = vector.broadcast %get3A_911 : vector<96x1xf32> to vector<96x24xf32>
    %add3A_1179 = arith.addf %dot_general3A_1177, %add3A_1178 : vector<96x24xf32>
    %swap3A_1180 = arith.constant 0 : index
    %swap3A_1181 = arith.constant 22 : index
    %swap3A_1182 = arith.constant 0 : index
    %swap3A_1183 = arith.constant 0 : index
    %swap3A_1184 = vector.load %arg21[%swap3A_1180, %swap3A_1181, %swap3A_1182, %swap3A_1183] : memref<1x24x96x24xf32, #tpu.memory_space<vmem>>, vector<1x1x96x24xf32>
    %swap3A_1185 = vector.shape_cast %swap3A_1184 : vector<1x1x96x24xf32> to vector<96x24xf32>
    %swap3A_1186 = vector.shape_cast %add3A_1179 : vector<96x24xf32> to vector<1x1x96x24xf32>
    tpu.vector_store %arg21[%swap3A_1180, %swap3A_1181, %swap3A_1182, %swap3A_1183], %swap3A_1186 {strides = array<i32>} : memref<1x24x96x24xf32, #tpu.memory_space<vmem>>, vector<1x1x96x24xf32>,
    %slice3A_1187 = vector.extract_strided_slice %add3A_905 {offsets = [552, 0], sizes = [24, 96], strides = [1, 1]} : vector<576x96xf32> to vector<24x96xf32>
    %dot_general3A_1188 = arith.constant dense<0.000000e+00> : vector<96x24xf32>
    %dot_general3A_1189 = tpu.matmul %get3A_908, %slice3A_1187, %dot_general3A_1188 {dimension_numbers = #tpu.dot_dimension_numbers<[1], [1], [0], [0], [0, 0, 1, 0], [], []>, transpose_lhs_hint = false} : vector<96x96xf32>, vector<24x96xf32>, vector<96x24xf32> -> vector<96x24xf32>
    %add3A_1190 = vector.broadcast %get3A_911 : vector<96x1xf32> to vector<96x24xf32>
    %add3A_1191 = arith.addf %dot_general3A_1189, %add3A_1190 : vector<96x24xf32>
    %swap3A_1192 = arith.constant 0 : index
    %swap3A_1193 = arith.constant 23 : index
    %swap3A_1194 = arith.constant 0 : index
    %swap3A_1195 = arith.constant 0 : index
    %swap3A_1196 = vector.load %arg21[%swap3A_1192, %swap3A_1193, %swap3A_1194, %swap3A_1195] : memref<1x24x96x24xf32, #tpu.memory_space<vmem>>, vector<1x1x96x24xf32>
    %swap3A_1197 = vector.shape_cast %swap3A_1196 : vector<1x1x96x24xf32> to vector<96x24xf32>
    %swap3A_1198 = vector.shape_cast %add3A_1191 : vector<96x24xf32> to vector<1x1x96x24xf32>
    tpu.vector_store %arg21[%swap3A_1192, %swap3A_1193, %swap3A_1194, %swap3A_1195], %swap3A_1198 {strides = array<i32>} : memref<1x24x96x24xf32, #tpu.memory_space<vmem>>, vector<1x1x96x24xf32>,
    return
  }
  func.func @transform_0(%arg0: i32) -> (i32, i32, i32) {
    %c0_i32 = arith.constant 0 : i32
    %c0_i32_0 = arith.constant 0 : i32
    %c0_i32_1 = arith.constant 0 : i32
    return %arg0, %c0_i32, %c0_i32_0 : i32, i32, i32
  }
  func.func @transform_1(%arg0: i32) -> (i32, i32) {
    %c0_i32 = arith.constant 0 : i32
    %c0_i32_0 = arith.constant 0 : i32
    %c0_i32_1 = arith.constant 0 : i32
    return %c0_i32, %c0_i32_0 : i32, i32
  }
  func.func @transform_2(%arg0: i32) -> (i32, i32) {
    %c0_i32 = arith.constant 0 : i32
    %c0_i32_0 = arith.constant 0 : i32
    %c0_i32_1 = arith.constant 0 : i32
    return %c0_i32, %c0_i32_0 : i32, i32
  }
  func.func @transform_3(%arg0: i32) -> (i32, i32) {
    %c0_i32 = arith.constant 0 : i32
    %c0_i32_0 = arith.constant 0 : i32
    %c0_i32_1 = arith.constant 0 : i32
    return %c0_i32, %c0_i32_0 : i32, i32
  }
  func.func @transform_4(%arg0: i32) -> (i32, i32) {
    %c0_i32 = arith.constant 0 : i32
    %c0_i32_0 = arith.constant 0 : i32
    %c0_i32_1 = arith.constant 0 : i32
    return %c0_i32, %c0_i32_0 : i32, i32
  }
  func.func @transform_5(%arg0: i32) -> (i32, i32) {
    %c0_i32 = arith.constant 0 : i32
    %c0_i32_0 = arith.constant 0 : i32
    %c0_i32_1 = arith.constant 0 : i32
    return %c0_i32, %c0_i32_0 : i32, i32
  }
  func.func @transform_6(%arg0: i32) -> (i32, i32) {
    %c0_i32 = arith.constant 0 : i32
    %c0_i32_0 = arith.constant 0 : i32
    %c0_i32_1 = arith.constant 0 : i32
    return %c0_i32, %c0_i32_0 : i32, i32
  }
  func.func @transform_7(%arg0: i32) -> (i32, i32) {
    %c0_i32 = arith.constant 0 : i32
    %c0_i32_0 = arith.constant 0 : i32
    %c0_i32_1 = arith.constant 0 : i32
    return %c0_i32, %c0_i32_0 : i32, i32
  }
  func.func @transform_8(%arg0: i32) -> (i32, i32) {
    %c0_i32 = arith.constant 0 : i32
    %c0_i32_0 = arith.constant 0 : i32
    %c0_i32_1 = arith.constant 0 : i32
    return %c0_i32, %c0_i32_0 : i32, i32
  }
  func.func @transform_9(%arg0: i32) -> (i32, i32) {
    %c0_i32 = arith.constant 0 : i32
    %c0_i32_0 = arith.constant 0 : i32
    %c0_i32_1 = arith.constant 0 : i32
    return %c0_i32, %c0_i32_0 : i32, i32
  }
  func.func @transform_10(%arg0: i32) -> (i32, i32) {
    %c0_i32 = arith.constant 0 : i32
    %c0_i32_0 = arith.constant 0 : i32
    %c0_i32_1 = arith.constant 0 : i32
    return %c0_i32, %c0_i32_0 : i32, i32
  }
  func.func @transform_11(%arg0: i32) -> (i32, i32) {
    %c0_i32 = arith.constant 0 : i32
    %c0_i32_0 = arith.constant 0 : i32
    %c0_i32_1 = arith.constant 0 : i32
    return %c0_i32, %c0_i32_0 : i32, i32
  }
  func.func @transform_12(%arg0: i32) -> (i32, i32) {
    %c0_i32 = arith.constant 0 : i32
    %c0_i32_0 = arith.constant 0 : i32
    %c0_i32_1 = arith.constant 0 : i32
    return %c0_i32, %c0_i32_0 : i32, i32
  }
  func.func @transform_13(%arg0: i32) -> (i32, i32) {
    %c0_i32 = arith.constant 0 : i32
    %c0_i32_0 = arith.constant 0 : i32
    %c0_i32_1 = arith.constant 0 : i32
    return %c0_i32, %c0_i32_0 : i32, i32
  }
  func.func @transform_14(%arg0: i32) -> (i32, i32) {
    %c0_i32 = arith.constant 0 : i32
    %c0_i32_0 = arith.constant 0 : i32
    %c0_i32_1 = arith.constant 0 : i32
    return %c0_i32, %c0_i32_0 : i32, i32
  }
  func.func @transform_15(%arg0: i32) -> (i32, i32) {
    %c0_i32 = arith.constant 0 : i32
    %c0_i32_0 = arith.constant 0 : i32
    %c0_i32_1 = arith.constant 0 : i32
    return %c0_i32, %c0_i32_0 : i32, i32
  }
  func.func @transform_16(%arg0: i32) -> (i32, i32) {
    %c0_i32 = arith.constant 0 : i32
    %c0_i32_0 = arith.constant 0 : i32
    %c0_i32_1 = arith.constant 0 : i32
    return %c0_i32, %c0_i32_0 : i32, i32
  }
  func.func @transform_17(%arg0: i32) -> (i32, i32) {
    %c0_i32 = arith.constant 0 : i32
    %c0_i32_0 = arith.constant 0 : i32
    %c0_i32_1 = arith.constant 0 : i32
    return %c0_i32, %c0_i32_0 : i32, i32
  }
  func.func @transform_18(%arg0: i32) -> (i32, i32) {
    %c0_i32 = arith.constant 0 : i32
    %c0_i32_0 = arith.constant 0 : i32
    %c0_i32_1 = arith.constant 0 : i32
    return %c0_i32, %c0_i32_0 : i32, i32
  }
  func.func @transform_19(%arg0: i32) -> (i32, i32) {
    %c0_i32 = arith.constant 0 : i32
    %c0_i32_0 = arith.constant 0 : i32
    %c0_i32_1 = arith.constant 0 : i32
    return %c0_i32, %c0_i32_0 : i32, i32
  }
  func.func @transform_20(%arg0: i32) -> (i32, i32, i32, i32) {
    %c0_i32 = arith.constant 0 : i32
    %c0_i32_0 = arith.constant 0 : i32
    %c0_i32_1 = arith.constant 0 : i32
    %c0_i32_2 = arith.constant 0 : i32
    return %arg0, %c0_i32, %c0_i32_0, %c0_i32_1 : i32, i32, i32, i32
  }
}

</mosaic_0001>

<sc_bundles>
// kernel: sparse-core-data-format-call.cloned.1.call-start
scs
called_computation_lowered:
.L_overlay_start_0:
0x0: {  	s2 =	sld [smem:$0x3FD9]  }
0x1: {  	s3 =	sld [smem:$0x3FFE];
	_ =	sdelay $0x1  }
0x2: {  	s1 =	srdreg.scid  }
0x3: {  	s0 =	sand.u32 $0x1, s1  }
0x4: {  	s18 =	sshll.u32 s0, $0xA;
	s2 =	sadd.s32 s3, s2  }
0x5: {  	s2 =	sadd.s32 s2, s18  }
0x6: {  	[smem:$0x3FB4] =	sst s2  }
0x7: {  	_ = 	snop  }
0x8: {  	s2 =	sld [smem:$0x3FD0];
	(tm) =	ssettm $0x1  }
0x9: {  	s19 =	sld [smem:$0x3FFB];
	_ =	sdelay $0x3  }
0xa: {  	_ =	strace s19  }
0xb: {  	s3 =	sld [smem:$0x3FFC];
	_ =	sdelay $0x3  }
0xc: {  	_ =	strace s3  }
0xd: {  	s3 =	sld [smem:$0x3FFD];
	_ =	sdelay $0x3  }
0xe: {  	_ =	strace s3  }
0xf: {  	_ =	strace $0x8FFFFFFF  }
0x10: {  	s20 =	sld [smem:$0x3FDB];
	_ =	sdelay $0x1  }
0x11: {  	s4 =	simm.s32 $_scs_section_size  }
0x12: {  	s5 =	simm.s32 $_size__tile_overlayer_lowered;
	s6 =	simm.s32 $_tile_overlayer_lowered  }
0x13: {  	s23 =	simm.s32 $0x1BFF;
	s22 =	sshll.u32 s6, $0x1;
	s3 =	sadd.s32 s4, s20  }
0x14: {  	s7 =	simm.s32 $0x0;
	s21 =	sshll.u32 s5, $0x1;
	s5 =	sadd.s32 s22, s3  }
0x15: {  	[timem:s7], [sflag:s23] =	dma.local [hbm:s5], s21  }
0x16: {  	_ =	swait.ge [sflag:s23], s21  }
0x17: {  	s4 =	ssub.s32 $0x0, s21;
	[sflag:s23] =	ssyncset.done $0x0  }
0x18: {  	[sflag:s23] =	ssyncadd.s32 s4;
	_ =	sdelay $0x1  }
0x19: {  	s24 =	simm.s32 $0x1B8B  }
0x1a: {  	_ =	swait.ge [sflag:s24], $0x1  }
0x1b: {  	[sflag:s24] =	ssyncset.done $0x0  }
0x1c: {  	s26 =	simm.s32 $0x1B8E;
	s25 =	sld [smem:$0x3FFE];
	[sflag:s24] =	ssyncadd.s32 $0xFFFFFFFF  }
0x1d: {  	s27 =	simm.s32 $execute0_lowered;
	[smem:$0x3FD2] =	sst s26  }
0x1e: {  	s5 =	sshll.u32 s27, $0x1;
	_ =	strace $0x80000046;
	[dreg:$0x1] =	wrdreg $0xFFFFFFFF  }
0x1f: {  	s28 =	simm.s32 $_size_execute0_lowered;
	s3 =	sadd.s32 s3, s5;
	[dreg:$0x0] =	wrdreg $0x0  }
0x20: {  	s5 =	sshll.u32 s28, $0x1;
	[dreg:$0x2] =	wrdreg s3  }
0x21: {  	[dreg:$0x3] =	wrdreg s5  }
0x22: {  	[dreg:$0x4] =	wrdreg $0xC0  }
0x23: {  	_ =	task [dreg:s7], $0x5FFFF  }
0x24: {  	[dreg:$0x1] =	wrdreg $0xFFFFFFFF  }
0x25: {  	[dreg:$0x0] =	wrdreg $0x60  }
0x26: {  	[dreg:$0x2] =	wrdreg s25  }
0x27: {  	[dreg:$0x3] =	wrdreg s2  }
0x28: {  	[dreg:$0x4] =	wrdreg $0x9  }
0x29: {  	_ =	task.clear_ibuf [dreg:s7], $0x5FFFF;
	_ =	strace $0x90000046  }
0x2a: {  	s29 =	simm.s32 $0x9;
	_ =	strace $0x80000048  }
0x2b: {  	_ =	swait.ge [sflag:s29], $0x1  }
0x2c: {  	[sflag:s29] =	ssyncadd.s32 $0xFFFFFFFF  }
0x2d: {  	_ =	strace $0x90000048  }
0x2e: {  	_ =	sfence  }
0x2f: {  	s30 =	sld [smem:$0x0];
	_ =	sdelay $0x2  }
0x30: {  	s31 =	sshll.u32 s1, $0xD;
	s1 =	sshrl.u32 s1, $0x2  }
0x31: {  	s3 =	sand.u32 $0x4000, s31;
	s1 =	sadd.s32 s1, s30  }
0x32: {  	s0 =	sor.u32 s3, s0;
	s1 =	sshll.u32 s1, $0x11  }
0x33: {  	s0 =	sor.u32 s1, s0  }
0x34: {  	s0 =	sadd.s32 $0x8F2B, s0  }
0x35: {  	[sflag:s0] =	ssyncadd.remote.s32 $0x1  }
0x36: {  	_ =	sfence.sel $0xFFFF  }
0x37: {  	[dreg:$0x0] =	wrdreg $0xFFFFFFFF;
	(pc) =	sbr.abs _section_cstart, $3  }
0x38: {  	[dreg:$0x1] =	wrdreg $0xFFFFFFFF  }
0x39: {  	_ =	task.clear_ibuf [dreg:s7], $0x2FFFF;
	_ =	strace $0x9FFFFFFF  }
0x3a: {  	(tm) =	ssettm $0x7FFFFFFF  }
0x3b: {  	_ =	shalt  }
tec
execute0_lowered:
.L_overlay_start_1:
0x0: {  	(tag) =	ssettag $0x1  }
0x1: {  	s1 =	rddreg [dreg:$0x0]  }
0x2: {  	s2 =	rddreg [dreg:$0x1]  }
0x3: {  	s0 =	rddreg [dreg:$0x2];
	s4 =	srdreg.scid  }
0x4: {  	_ =	strace $0x80000047;
	s7 =	simm.s32 $0x2;
	s15 =	simm.s32 $0x0  }
0x5: {  	p0 =	por $0x0, $0x0;
	s13 =	simm.s32 $0x0;
	s16 =	simm.s32 $0x0  }
0x6: {  	s14 =	simm.s32 $0x0;
	s9 =	simm.s32 $0x0;
	s11 =	simm.s32 $0x0  }
.Ltmp0:
0x7: {  	s3 =	sadd.s32 $0x2600, s1;
	s4 =	sshll.u32 s4, $0x4;
	(pc) =	sbr.rel .LBB1_1-.Ltmp0, $4  }
0x8: {  	s1 =	stileid.u32;
	s5 =	sand.u32 $0x10, s4;
	s4 =	simm.s32 $0x1  }
0x9: {  	s8 =	simm.s32 $0x0;
	s6 =	sor.u32 s1, s5;
	[sflag:s4] =	ssyncpa.u1 $0x0  }
0xa: {  	s5 =	sand.u32 $0x3, s1;
	s6 =	sshrl.u32 s6, $0x2;
	[sflag:s7] =	ssyncpa.u1 $0x0  }
0xb: {  	s7 =	simm.s32 $0xC00;
	s12 =	smov.u32 s5;
	s10 =	smov.u32 s6  }
.LBB1_5:
0xc: {  	s17 =	sadd.s32 $0x80, s9  }
0xd: {  	s13 =	sadd.s32 $0x8, s10;
	s18 =	smov.u32 s10;
	p2 =	sgt.s32 s17, $0x17F  }
0xe: {  	s18 =	smov.u32 @p2 s13  }
0xf: {  	s19 =	smov.u32 s11;
	s13 =	sadd.s32 $0x80, s11;
	p3 =	sgt.s32 s18, $0x7  }
0x10: {  	s19 =	smov.u32 @p3 s13  }
0x11: {  	s20 =	smov.u32 s12;
	s13 =	sadd.s32 $0x4, s12;
	p4 =	sgt.s32 s19, $0x17F  }
0x12: {  	p1 =	slt.u32 s8, $0x2;
	s20 =	smov.u32 @p4 s13  }
0x13: {  	s8 =	sadd.s32 $0x1, s8;
	s17 =	simm.s32 @p2 $0x0;
	p2 =	sgt.s32 s20, $0x17  }
0x14: {  	s15 =	smov.u32 s9;
	s20 =	smov.u32 @p2 s5;
	p2 =	sne.s32 s8, $0x38  }
.Ltmp1:
0x15: {  	s16 =	smov.u32 s11;
	s21 =	simm.s32 @!p1 $0x2;
	(pc) =	sbr.rel @!p2 .LBB1_6-.Ltmp1, $4  }
0x16: {  	s14 =	smov.u32 s12;
	p0 =	por !p0, !p0;
	_ =	swait.ge @!p1 [sflag:s21], $0x4000  }
0x17: {  	[sflag:s21] =	ssyncset.done @!p1 $0x0;
	s9 =	smov.u32 s17;
	s18 =	smov.u32 @p3 s6  }
0x18: {  	[sflag:s21] =	ssyncadd.s32 @!p1 $0xFFFFC000;
	s19 =	simm.s32 @p4 $0x0;
	s13 =	smov.u32 s10  }
0x19: {  	s10 =	smov.u32 s18;
	s11 =	smov.u32 s19;
	s12 =	smov.u32 s20  }
.LBB1_1:
0x1a: {  	p1 =	sgt.u32 s8, $0x35  }
0x1b: {  	s17 =	sshrl.u32 @!p1 s10, $0x3  }
0x1c: {  	s18 =	sshll.u32 @!p1 s9, $0x3;
	s17 =	smul.u32 @!p1 $0xC00, s17  }
0x1d: {  	s19 =	sshll.u32 @!p1 s10, $0x7;
	s18 =	sand.u32 @!p1 $0xFFFFFC00, s18  }
0x1e: {  	s17 =	sadd.s32 @!p1 s17, s18;
	s18 =	sand.u32 @!p1 $0x380, s19  }
0x1f: {  	s19 =	sand.u32 @!p1 $0x7F, s9;
	s17 =	sor.u32 @!p1 s18, s17  }
0x20: {  	s18 =	sor.u32 @!p1 s19, s17  }
0x21: {  	s19 =	smulhi.u32 @!p1 $0xAAAAAAAB, s18  }
0x22: {  	s17 =	smulhi.u32 @!p1 $0xAAAAAAAB, s17  }
0x23: {  	s21 =	smul.u32 @!p1 $0x24000, s12;
	s19 =	sshrl.u32 @!p1 s19, $0x8  }
0x24: {  	s20 =	sxor.u32 @!p1 $0xFFFFFFFF, s8;
	s17 =	sshrl.u32 @!p1 s17, $0x8;
	s19 =	smul.u32 @!p1 $0x180, s19  }
0x25: {  	s22 =	smul.u32 @!p1 $0x180, s11;
	s20 =	sshll.u32 @!p1 s20, $0xE;
	s17 =	sand.u32 @!p1 $0x7, s17  }
0x26: {  	s17 =	smul.u32 @!p1 $0x30, s17;
	s18 =	ssub.s32 @!p1 s18, s19;
	s19 =	sadd.s32 @!p1 s3, s21  }
0x27: {  	s20 =	sand.u32 @!p1 $0x4000, s20;
	s19 =	sadd.s32 @!p1 s22, s19;
	s21 =	sand.u32 @!p1 $0x7, s18  }
0x28: {  	s18 =	sshrl.u32 @!p1 s18, $0x3;
	s17 =	sadd.s32 @!p1 s17, s19;
	s19 =	sshll.u32 @!p1 s21, $0x12  }
0x29: {  	s17 =	sadd.s32 @!p1 s18, s17;
	s18 =	sor.u32 @!p1 $0x80, s19;
	s19 =	simm.s32 @!p1 $0xC00  }
0x2a: {  	[tilespmem:s20], [sflag:$0x1] =	stream.strided.gather @!p1 [hbm4b:s17+s18], $0x4000, s19, s18, $0x38;
	[tilespmem:$0x10000] =	vst v63  }
0x2b: {  	p1 =	seq.s32 s8, $0x0  }
0x2c: {  	p2 =	seq.s32 @!p1 s8, $0x37  }
0x2d: {  	p1 =	por p1, p2  }
.Ltmp2:
0x2e: {  	_ = 	snop;
	(pc) =	sbr.rel @p1 .LBB1_5-.Ltmp2, $1  }
0x2f: {  	_ =	sdelay $0x3  }
0x30: {  	s17 =	simm.s32 $0x1  }
0x31: {  	s17 =	simm.s32 @!p0 $0x0  }
0x32: {  	s17 =	sshll.u32 s17, $0xE  }
0x33: {  	s18 =	sor.u32 $0x70, s17  }
0x34: {  	v1 =	vmov s18;
	_ =	sdelay $0x1  }
0x35: {  	_ =	swait.ge [sflag:s4], $0x4000  }
0x36: {  	[sflag:s4] =	ssyncset.done $0x0  }
0x37: {  	s19 =	simm.s32 $0x0;
	[sflag:s4] =	ssyncadd.s32 $0xFFFFC000  }
0x38: {  	s17 =	sor.u32 $0x8040, s17;
	v6 =	vld.idx.msk [tilespmem:v1+s19+$0x0 ss:$0x1], $0xffff  }
0x39: {  	v0 =	vmov s17;
	v8 =	vld.idx.msk [tilespmem:v1+s19+$0xFFFFFF90 ss:$0x1], $0xffff  }
0x3a: {  	v7 =	vld.idx.msk [tilespmem:v1+s19+$0xFFFFFFA0 ss:$0x1], $0xffff  }
0x3b: {  	v5 =	vld.idx.msk [tilespmem:v1+s19+$0xFFFFFFB0 ss:$0x1], $0xffff  }
0x3c: {  	v4 =	vld.idx.msk [tilespmem:v1+s19+$0xFFFFFFC0 ss:$0x1], $0xffff  }
0x3d: {  	s31 =	sshll.u32 s8, $0xE;
	v2 =	vld.idx.msk [tilespmem:v1+s19+$0xFFFFFFD0 ss:$0x1], $0xffff  }
0x3e: {  	s17 =	sand.u32 $0x4000, s31;
	v3 =	vld.idx.msk [tilespmem:v1+s19+$0xFFFFFFE0 ss:$0x1], $0xffff;
	[tilespmem:v0+s19+$0x30 ss:$0x1] =	vst.idx.msk $0xffff, v6  }
0x3f: {  	s20 =	simm.s32 $0x400;
	s18 =	simm.s32 $0x80;
	s17 =	sor.u32 $0x8000, s17;
	[tilespmem:v0+s19+$0xFFFFFFC0 ss:$0x1] =	vst.idx.msk $0xffff, v8;
	v6 =	vld.idx.msk [tilespmem:v1+s19+$0xFFFFFFF0 ss:$0x1], $0xffff  }
.LBB1_3:
0x40: {  	p1 =	sne.s32 s20, $0xFE00;
	v8 =	vld.idx.msk [tilespmem:v1+s18+$0x0 ss:$0x1], $0xffff;
	[tilespmem:v0+s19+$0xFFFFFFD0 ss:$0x1] =	vst.idx.msk $0xffff, v7  }
0x41: {  	v9 =	vld.idx.msk [tilespmem:v1+s18+$0xFFFFFF90 ss:$0x1], $0xffff;
	[tilespmem:v0+s19+$0xFFFFFFE0 ss:$0x1] =	vst.idx.msk $0xffff, v5  }
0x42: {  	v7 =	vld.idx.msk [tilespmem:v1+s18+$0xFFFFFFA0 ss:$0x1], $0xffff;
	[tilespmem:v0+s19+$0xFFFFFFF0 ss:$0x1] =	vst.idx.msk $0xffff, v4  }
.Ltmp3:
0x43: {  	v5 =	vld.idx.msk [tilespmem:v1+s18+$0xFFFFFFB0 ss:$0x1], $0xffff;
	[tilespmem:v0+s19+$0x0 ss:$0x1] =	vst.idx.msk $0xffff, v2;
	(pc) =	sbr.rel @p1 .LBB1_3-.Ltmp3, $4  }
0x44: {  	v4 =	vld.idx.msk [tilespmem:v1+s18+$0xFFFFFFC0 ss:$0x1], $0xffff;
	[tilespmem:v0+s19+$0x10 ss:$0x1] =	vst.idx.msk $0xffff, v3  }
0x45: {  	v2 =	vld.idx.msk [tilespmem:v1+s18+$0xFFFFFFD0 ss:$0x1], $0xffff;
	[tilespmem:v0+s19+$0x20 ss:$0x1] =	vst.idx.msk $0xffff, v6;
	s19 =	smov.u32 s18  }
0x46: {  	v3 =	vld.idx.msk [tilespmem:v1+s19+$0xFFFFFFE0 ss:$0x1], $0xffff;
	[tilespmem:v0+s19+$0x30 ss:$0x1] =	vst.idx.msk $0xffff, v8  }
0x47: {  	s18 =	sshra.s32 s20, $0x2;
	s20 =	sadd.s32 $0x200, s20;
	[tilespmem:v0+s19+$0xFFFFFFC0 ss:$0x1] =	vst.idx.msk $0xffff, v9;
	v6 =	vld.idx.msk [tilespmem:v1+s19+$0xFFFFFFF0 ss:$0x1], $0xffff  }
0x48: {  	s20 =	sshrl.u32 s16, $0x3  }
0x49: {  	s21 =	sshll.u32 s15, $0x3;
	s20 =	smul.u32 $0xC00, s20  }
0x4a: {  	s26 =	sshll.u32 s16, $0x7;
	s21 =	sand.u32 $0xFFFFFC00, s21  }
0x4b: {  	s16 =	sand.u32 $0x380, s26;
	s20 =	sadd.s32 s20, s21  }
0x4c: {  	[tilespmem:v0+s19+$0xFFFFFFD0 ss:$0x1] =	vst.idx.msk $0xffff, v7;
	s27 =	sand.u32 $0x7F, s15;
	s16 =	sor.u32 s16, s20  }
0x4d: {  	v56 =	vld.idx.msk [tilespmem:v1+s18+$0x0 ss:$0x1], $0xffff;
	[tilespmem:v0+s19+$0xFFFFFFE0 ss:$0x1] =	vst.idx.msk $0xffff, v5;
	s15 =	sor.u32 s27, s16;
	s16 =	smulhi.u32 $0xAAAAAAAB, s16  }
0x4e: {  	v57 =	vld.idx.msk [tilespmem:v1+s18+$0xFFFFFF90 ss:$0x1], $0xffff;
	[tilespmem:v0+s19+$0xFFFFFFF0 ss:$0x1] =	vst.idx.msk $0xffff, v4  }
0x4f: {  	v58 =	vld.idx.msk [tilespmem:v1+s18+$0xFFFFFFA0 ss:$0x1], $0xffff;
	s14 =	smul.u32 $0x24000, s14;
	[tilespmem:v0+s19+$0x0 ss:$0x1] =	vst.idx.msk $0xffff, v2;
	s16 =	sshrl.u32 s16, $0x8  }
0x50: {  	v59 =	vld.idx.msk [tilespmem:v1+s18+$0xFFFFFFB0 ss:$0x1], $0xffff;
	[tilespmem:v0+s19+$0x10 ss:$0x1] =	vst.idx.msk $0xffff, v3;
	s30 =	smulhi.u32 $0xAAAAAB, s16  }
0x51: {  	v60 =	vld.idx.msk [tilespmem:v1+s18+$0xFFFFFFC0 ss:$0x1], $0xffff;
	[tilespmem:v0+s19+$0x20 ss:$0x1] =	vst.idx.msk $0xffff, v6;
	s28 =	smulhi.u32 $0xAAAAAAAB, s15  }
0x52: {  	v61 =	vld.idx.msk [tilespmem:v1+s18+$0xFFFFFFD0 ss:$0x1], $0xffff;
	[tilespmem:v0+s18+$0x30 ss:$0x1] =	vst.idx.msk $0xffff, v56;
	s20 =	smul.u32 $0x180, s30  }
0x53: {  	v62 =	vld.idx.msk [tilespmem:v1+s18+$0xFFFFFFE0 ss:$0x1], $0xffff;
	s13 =	smul.u32 $0x4800, s13;
	[tilespmem:v0+s18+$0xFFFFFFC0 ss:$0x1] =	vst.idx.msk $0xffff, v57;
	s29 =	sshrl.u32 s28, $0x8  }
0x54: {  	v63 =	vld.idx.msk [tilespmem:v1+s18+$0xFFFFFFF0 ss:$0x1], $0xffff;
	[tilespmem:v0+s18+$0xFFFFFFD0 ss:$0x1] =	vst.idx.msk $0xffff, v58;
	s19 =	smul.u32 $0x180, s29;
	s16 =	ssub.s32 s16, s20  }
0x55: {  	[tilespmem:v0+s18+$0xFFFFFFE0 ss:$0x1] =	vst.idx.msk $0xffff, v59;
	s16 =	smul.u32 $0x30, s16  }
.Ltmp4:
0x56: {  	s14 =	sadd.s32 s2, s14;
	[tilespmem:v0+s18+$0xFFFFFFF0 ss:$0x1] =	vst.idx.msk $0xffff, v60;
	s15 =	ssub.s32 s15, s19;
	(pc) =	sbr.rel .LBB1_5-.Ltmp4, $4  }
0x57: {  	s13 =	sadd.s32 s13, s14;
	[tilespmem:v0+s18+$0x0 ss:$0x1] =	vst.idx.msk $0xffff, v61;
	s31 =	sand.u32 $0x7, s15  }
0x58: {  	[tilespmem:v0+s18+$0x10 ss:$0x1] =	vst.idx.msk $0xffff, v62;
	s15 =	sshrl.u32 s15, $0x3;
	s14 =	sshll.u32 s31, $0x12;
	s13 =	sadd.s32 s16, s13  }
0x59: {  	[tilespmem:v0+s18+$0x20 ss:$0x1] =	vst.idx.msk $0xffff, v63;
	s14 =	sor.u32 $0x400, s14;
	s13 =	sadd.s32 s15, s13  }
0x5a: {  	[hbm4b:s13+s14] =	stream.strided.scatter [tilespmem:s17], [sflag:$0x2], $0x4000, s7, s14, $0x38;
	[tilespmem:$0x10000] =	vst v63  }
.LBB1_6:
0x5b: {  	_ =	sfence.sel $0x180000  }
0x5c: {  	s2 =	simm.s32 $0x1;
	[bflag:$0x0] =	sbarrier.arrive $0xFFFF  }
0x5d: {  	s31 =	simm.s32 $0x2;
	[sflag:s2] =	ssyncpa.u1 $0x1  }
0x5e: {  	[sflag:s31] =	ssyncpa.u1 $0x1  }
0x5f: {  	p0 =	sne.s32 s1, $0x0;
	_ =	strace $0x90000047  }
0x60: {  	s0 =	sadd.s32 @!p0 $0x100000, s0;
	[bflag:$0x2] =	sbarrier.arrive $0xFFFF  }
0x61: {  	[sflag:s0] =	ssyncadd.tile.s32 @!p0 $0x1;
	_ =	shalt  }
.Lfunc_end1:
_tile_overlayer_lowered:
.L_overlay_start_2:
0x62: {  	(tag) =	ssettag $0x2  }
0x63: {  	s0 =	rddreg [dreg:$0x0];
	s2 =	stileid.u32  }
0x64: {  	s1 =	rddreg [dreg:$0x1];
	p0 =	sne.s32 s2, $0x0  }
0x65: {  	s3 =	rddreg [dreg:$0x2];
	[bflag:$0x3] =	sbarrier.arrive $0xFFFF;
	s2 =	simm.s32 @!p0 $0x1C01  }
0x66: {  	[timem:s3], [sflag:s2] =	dma.local @!p0 [hbm:s0], s1  }
0x67: {  	s0 =	simm.s32 @!p0 $0x1  }
0x68: {  	_ =	swait.ge @!p0 [sflag:s0], s1  }
0x69: {  	s1 =	ssub.s32 @!p0 $0x0, s1;
	[sflag:s0] =	ssyncset.done @!p0 $0x0  }
0x6a: {  	[sflag:s0] =	ssyncadd.s32 @!p0 s1  }
0x6b: {  	[bflag:$0x3] =	sbarrier.arrive $0xFFFF  }
0x6c: {  	_ =	shalt  }

</sc_bundles>
